<compile_context>
chip_gen: v7x
topology: tpu7x:2x2x1
jax: 0.10.2.dev20260603
libtpu: 0.0.44.dev20260713+nightly
codegen_flags: <defaults>
</compile_context>

<pallas_src>
import functools

import jax
import jax.numpy as jnp
from jax import lax
from jax.experimental import pallas as pl
from jax.experimental.pallas import tpu as pltpu
from jax.experimental.pallas import tpu_sc as plsc

B, H, W, C = 64, 28, 28, 768
ROUTES = 8
CONV_CH = 64
RW = C // ROUTES
PIX = H * W
NROWS = B * PIX * ROUTES

NC, NS, LANES = 2, 16, 16
NW = NC * NS
SAMPLES_PER_W = B // NW
CHUNK = 112
NCHUNK = PIX // CHUNK

SPS = 4

_COUNTS = [196.0, 196.0, 182.0, 196.0, 196.0, 182.0, 182.0, 182.0, 169.0]
_EPS = 1e-3


def _sums_body(x_ref, sc_ref, sh_ref, s_ref):
    for j in range(SPS):
        xbn = x_ref[j] * sc_ref[0] + sh_ref[0]
        x = xbn.astype(jnp.bfloat16).astype(jnp.float32)
        rs = jnp.sum(x.reshape(14, 2, 28, 768), axis=0)
        p = jnp.sum(rs.reshape(2, 14, 2, 768), axis=1)
        col0 = rs[:, 0, :]
        r0 = jnp.sum(x[0].reshape(14, 2, 768), axis=0)
        x00 = x[0, 0, :]
        see, seo, soe, soo = p[0, 0], p[0, 1], p[1, 0], p[1, 1]
        s_ref[j] = jnp.stack([
            see, seo, see - col0[0],
            soe, soo, soe - col0[1],
            see - r0[0], seo - r0[1],
            see - col0[0] - r0[0] + x00,
        ])


def _logits_body(s_ref, w_ref, cb_ref, fw_ref, fb_ref, out_ref, route_ref):
    s = s_ref[...]
    s1 = s.astype(jnp.bfloat16)
    r1 = s - s1.astype(jnp.float32)
    s2 = r1.astype(jnp.bfloat16)
    s3 = (r1 - s2.astype(jnp.float32)).astype(jnp.bfloat16)
    wb = w_ref[...]
    acc = (jnp.dot(s1, wb, preferred_element_type=jnp.float32)
           + jnp.dot(s2, wb, preferred_element_type=jnp.float32)
           + jnp.dot(s3, wb, preferred_element_type=jnp.float32))
    pooled = acc / 196.0 + cb_ref[...]
    logits = jnp.dot(pooled.astype(jnp.bfloat16), fw_ref[...],
                     preferred_element_type=jnp.float32) + fb_ref[...]
    out_ref[...] = logits
    maxv = jnp.max(logits, axis=1, keepdims=True)
    idx8 = lax.broadcasted_iota(jnp.int32, (B, ROUTES), 1)
    route = jnp.min(jnp.where(logits == maxv, idx8, ROUTES), axis=1,
                    keepdims=True)
    route_ref[...] = jnp.broadcast_to(route, (B, LANES))


def _sc_gather_body(table_hbm, route_hbm, out_hbm,
                    idx_v, rt0_v, rt1_v, buf_a, buf_b, sem_a, sem_b):
    cid = lax.axis_index("c")
    sid = lax.axis_index("s")
    wid = sid * NC + cid
    n0 = wid * SAMPLES_PER_W

    pltpu.sync_copy(route_hbm.at[pl.ds(n0 * LANES, LANES)], rt0_v)
    pltpu.sync_copy(route_hbm.at[pl.ds((n0 + 1) * LANES, LANES)], rt1_v)
    lane = lax.iota(jnp.int32, LANES)
    rvs = (rt0_v[...], rt1_v[...])

    cpl = CHUNK // LANES
    for j in range(SAMPLES_PER_W):
        rv = rvs[j]

        def fill(c, _):
            s_pix = c * LANES + lane
            vals = ((n0 + j) * PIX + s_pix) * ROUTES + rv
            idx_v[j * NCHUNK + c // cpl, pl.ds((c % cpl) * LANES, LANES)] = vals
            return 0

        lax.fori_loop(0, PIX // LANES, fill, 0)

    bufs = (buf_a, buf_b)
    sems = (sem_a, sem_b)
    total = SAMPLES_PER_W * NCHUNK
    handles = [None] * total
    handles[0] = pltpu.async_copy(table_hbm.at[idx_v.at[0]], bufs[0], sems[0])
    for k in range(total):
        if k + 1 < total:
            handles[k + 1] = pltpu.async_copy(
                table_hbm.at[idx_v.at[k + 1]], bufs[(k + 1) % 2],
                sems[(k + 1) % 2])
        handles[k].wait()
        start = n0 * PIX + k * CHUNK
        pltpu.sync_copy(bufs[k % 2], out_hbm.at[pl.ds(start, CHUNK)])


def _make_sums_call():
    return pl.pallas_call(
        _sums_body,
        grid=(B // SPS,),
        in_specs=[
            pl.BlockSpec((SPS, H, W, C), lambda n: (n, 0, 0, 0)),
            pl.BlockSpec((1, 1, C), lambda n: (0, 0, 0)),
            pl.BlockSpec((1, 1, C), lambda n: (0, 0, 0)),
        ],
        out_specs=pl.BlockSpec((SPS, 9, C), lambda n: (n, 0, 0)),
        out_shape=jax.ShapeDtypeStruct((B, 9, C), jnp.float32),
    )


def _make_logits_call():
    return pl.pallas_call(
        _logits_body,
        out_shape=(jax.ShapeDtypeStruct((B, ROUTES), jnp.float32),
                   jax.ShapeDtypeStruct((B, LANES), jnp.int32)),
    )


def _make_sc_gather():
    mesh = plsc.VectorSubcoreMesh(core_axis_name="c", subcore_axis_name="s")
    return functools.partial(
        pl.kernel,
        out_type=jax.ShapeDtypeStruct((B * PIX, RW), jnp.float32),
        mesh=mesh,
        scratch_types=[
            pltpu.VMEM((SAMPLES_PER_W * NCHUNK, CHUNK), jnp.int32),
            pltpu.VMEM((LANES,), jnp.int32),
            pltpu.VMEM((LANES,), jnp.int32),
            pltpu.VMEM((CHUNK, RW), jnp.float32),
            pltpu.VMEM((CHUNK, RW), jnp.float32),
            pltpu.SemaphoreType.DMA,
            pltpu.SemaphoreType.DMA,
        ],
        compiler_params=pltpu.CompilerParams(use_tc_tiling_on_sc=False),
    )(_sc_gather_body)


def kernel(inputs, bn_gamma, bn_beta, bn_mean, bn_var, conv_w, conv_b,
           fc_w, fc_b):
    inv = bn_gamma / jnp.sqrt(bn_var + _EPS)
    scale = inv.reshape(1, 1, C)
    shift = (bn_beta - bn_mean * inv).reshape(1, 1, C)
    wb = conv_w.reshape(9 * C, CONV_CH).astype(jnp.bfloat16)
    s = _make_sums_call()(inputs, scale, shift)
    logits, route_rep = _make_logits_call()(
        s.reshape(B, 9 * C),
        wb,
        conv_b.reshape(1, CONV_CH),
        fc_w.astype(jnp.bfloat16),
        fc_b.reshape(1, ROUTES),
    )
    x = _make_sc_gather()(inputs.reshape(NROWS, RW),
                          route_rep.reshape(B * LANES))
    return x.reshape(B, H, W, RW), logits

# --- scband reference (transcript-rebuilt; emitter-appended) ---
"""Pipeline reference for scband-information-gain-routing-block-36472862277803 (READ-ONLY COPY).

The authoritative reference and input builder live on the scoring server;
editing this copy changes nothing except your own understanding.
"""

import jax, jax.numpy as jnp
import numpy as np

B, H, W, C = 64, 28, 28, 768
ROUTES = 8
CONV_CH = 64


def setup_inputs(seed: int = 0) -> dict:
    key = jax.random.key(seed)
    ks = jax.random.split(key, 4)
    inputs = jax.random.normal(ks[0], (B, H, W, C), dtype=jnp.float32)
    bn_gamma = jnp.ones((C,), dtype=jnp.float32)
    bn_beta = jnp.zeros((C,), dtype=jnp.float32)
    bn_mean = jnp.zeros((C,), dtype=jnp.float32)
    bn_var = jnp.ones((C,), dtype=jnp.float32)
    conv_w = jax.random.normal(ks[1], (3, 3, C, CONV_CH), dtype=jnp.float32) * 0.02
    conv_b = jnp.zeros((CONV_CH,), dtype=jnp.float32)
    fc_w = jax.random.normal(ks[2], (CONV_CH, ROUTES), dtype=jnp.float32) * 0.1
    fc_b = jnp.zeros((ROUTES,), dtype=jnp.float32)
    return {
        'inputs': inputs,
        'bn_gamma': bn_gamma,
        'bn_beta': bn_beta,
        'bn_mean': bn_mean,
        'bn_var': bn_var,
        'conv_w': conv_w,
        'conv_b': conv_b,
        'fc_w': fc_w,
        'fc_b': fc_b,
    }


def reference(inputs, bn_gamma, bn_beta, bn_mean, bn_var, conv_w, conv_b, fc_w, fc_b):
    routes = fc_w.shape[1]
    eps = 1e-3  # keras BatchNormalization default epsilon
    # BatchNorm (inference mode, training=None -> uses moving statistics)
    routing_x = (inputs - bn_mean) / jnp.sqrt(bn_var + eps) * bn_gamma + bn_beta
    # Conv2D(64, (3,3), strides=(2,2), padding='same')
    routing_x = jax.lax.conv_general_dilated(
        routing_x, conv_w, window_strides=(2, 2), padding='SAME',
        dimension_numbers=('NHWC', 'HWIO', 'NHWC')) + conv_b
    # GlobalAveragePooling2D
    routing_x = jnp.mean(routing_x, axis=(1, 2))
    # Dense(routes)
    routing_x = routing_x @ fc_w + fc_b
    # choose_route: pick the argmax route's channel slice per sample
    Cin = inputs.shape[-1]
    route_width = Cin // routes
    route = jnp.argmax(routing_x, axis=-1)  # [B]
    idx = route[:, None, None, None] * route_width + jnp.arange(route_width)[None, None, None, :]
    idx = jnp.broadcast_to(idx, (inputs.shape[0], inputs.shape[1], inputs.shape[2], route_width))
    x = jnp.take_along_axis(inputs, idx, axis=-1)
    return (x, routing_x)

if __name__ == "__main__":
    import jax
    _d = setup_inputs()
    print(jax.jit(kernel)(*tuple(_d.values())))

</pallas_src>

<mosaic_0001>
#map = affine_map<(d0, d1) -> (0, 0)>
#map1 = affine_map<(d0, d1) -> (0)>
module attributes {stable_mosaic.version = 14 : i64} {
  func.func @_sc_gather_body(%arg0: i32, %arg1: i32, %arg2: memref<401408x96xf32, #tpu.memory_space<hbm>>, %arg3: memref<1024xi32, #tpu.memory_space<hbm>>, %arg4: memref<50176x96xf32, #tpu.memory_space<hbm>>, %arg5: memref<14x112xi32, #tpu.memory_space<vmem>>, %arg6: memref<16xi32, #tpu.memory_space<vmem>>, %arg7: memref<16xi32, #tpu.memory_space<vmem>>, %arg8: memref<112x96xf32, #tpu.memory_space<vmem>>, %arg9: memref<112x96xf32, #tpu.memory_space<vmem>>, %arg10: memref<!tpu.dma_semaphore, #tpu.memory_space<semaphore_mem>>, %arg11: memref<!tpu.dma_semaphore, #tpu.memory_space<semaphore_mem>>) attributes {dimension_semantics = [#tpu.dimension_semantics<core_parallel>, #tpu.dimension_semantics<subcore_parallel>], iteration_bounds = array<i64: 2, 16>, scalar_prefetch = 0 : i64, scratch_operands = 7 : i64, tpu.core_type = #tpu.core_type<sc_vector_subcore>, window_params = [{transform_indices = #map}, {transform_indices = #map1}, {transform_indices = #map}]} {
    %mul3A = arith.constant 2 : i32
    %mul3A_0 = arith.muli %arg1, %mul3A : i32
    %add3A = arith.addi %mul3A_0, %arg0 : i32
    %mul3A_1 = arith.constant 2 : i32
    %mul3A_2 = arith.muli %add3A, %mul3A_1 : i32
    %mul3A_3 = arith.constant 16 : i32
    %mul3A_4 = arith.muli %mul3A_2, %mul3A_3 : i32
    "tpu.region"() ({
      %run_scoped3A = tpu.sem_alloc : memref<!tpu.dma_semaphore, #tpu.memory_space<semaphore_mem>>
      %dma_start3A_277 = tpu.memref_slice %arg3[%mul3A_4] : memref<1024xi32, #tpu.memory_space<hbm>> -> memref<16xi32, #tpu.memory_space<hbm>>
      %dma_start3A_278 = tpu.memref_slice %arg3[%mul3A_4] : memref<1024xi32, #tpu.memory_space<hbm>> -> memref<16xi32, #tpu.memory_space<hbm>>
      tpu.enqueue_dma source(%dma_start3A_278 : memref<16xi32, #tpu.memory_space<hbm>>) target(%arg6 : memref<16xi32, #tpu.memory_space<vmem>>) target_semaphore(%run_scoped3A : memref<!tpu.dma_semaphore, #tpu.memory_space<semaphore_mem>>)
      %dma_wait3A_279 = tpu.memref_slice %arg3[%mul3A_4] : memref<1024xi32, #tpu.memory_space<hbm>> -> memref<16xi32, #tpu.memory_space<hbm>>
      %dma_wait3A_280 = tpu.memref_slice %arg3[%mul3A_4] : memref<1024xi32, #tpu.memory_space<hbm>> -> memref<16xi32, #tpu.memory_space<hbm>>
      tpu.wait_dma2 semaphore(%run_scoped3A : memref<!tpu.dma_semaphore, #tpu.memory_space<semaphore_mem>>) src(%dma_wait3A_280 : memref<16xi32, #tpu.memory_space<hbm>>) dst(%arg6 : memref<16xi32, #tpu.memory_space<vmem>>)
      tpu.yield
    }) : () -> ()
    %add3A_5 = arith.constant 1 : i32
    %add3A_6 = arith.addi %mul3A_2, %add3A_5 : i32
    %mul3A_7 = arith.constant 16 : i32
    %mul3A_8 = arith.muli %add3A_6, %mul3A_7 : i32
    "tpu.region"() ({
      %run_scoped3A = tpu.sem_alloc : memref<!tpu.dma_semaphore, #tpu.memory_space<semaphore_mem>>
      %dma_start3A_277 = tpu.memref_slice %arg3[%mul3A_8] : memref<1024xi32, #tpu.memory_space<hbm>> -> memref<16xi32, #tpu.memory_space<hbm>>
      %dma_start3A_278 = tpu.memref_slice %arg3[%mul3A_8] : memref<1024xi32, #tpu.memory_space<hbm>> -> memref<16xi32, #tpu.memory_space<hbm>>
      tpu.enqueue_dma source(%dma_start3A_278 : memref<16xi32, #tpu.memory_space<hbm>>) target(%arg7 : memref<16xi32, #tpu.memory_space<vmem>>) target_semaphore(%run_scoped3A : memref<!tpu.dma_semaphore, #tpu.memory_space<semaphore_mem>>)
      %dma_wait3A_279 = tpu.memref_slice %arg3[%mul3A_8] : memref<1024xi32, #tpu.memory_space<hbm>> -> memref<16xi32, #tpu.memory_space<hbm>>
      %dma_wait3A_280 = tpu.memref_slice %arg3[%mul3A_8] : memref<1024xi32, #tpu.memory_space<hbm>> -> memref<16xi32, #tpu.memory_space<hbm>>
      tpu.wait_dma2 semaphore(%run_scoped3A : memref<!tpu.dma_semaphore, #tpu.memory_space<semaphore_mem>>) src(%dma_wait3A_280 : memref<16xi32, #tpu.memory_space<hbm>>) dst(%arg7 : memref<16xi32, #tpu.memory_space<vmem>>)
      tpu.yield
    }) : () -> ()
    %iota3A = tpu.iota {dimensions = array<i32: 0>} : vector<16xi32>
    %get3A = arith.constant 0 : index
    %get3A_9 = tpu.vector_load %arg6[%get3A] {strides = array<i32>} : memref<16xi32, #tpu.memory_space<vmem>>, vector<16xi32>,
    %get3A_10 = vector.shape_cast %get3A_9 : vector<16xi32> to vector<16xi32>
    %get3A_11 = arith.constant 0 : index
    %get3A_12 = tpu.vector_load %arg7[%get3A_11] {strides = array<i32>} : memref<16xi32, #tpu.memory_space<vmem>>, vector<16xi32>,
    %get3A_13 = vector.shape_cast %get3A_12 : vector<16xi32> to vector<16xi32>
    %scan3A = arith.constant 0 : i32
    %scan3A_14 = arith.constant 0 : i32
    %scan3A_15 = arith.constant 49 : i32
    %scan3A_16 = arith.addi %scan3A_14, %scan3A_15 : i32
    %scan3A_17 = arith.constant 1 : i32
    %scan3A_18 = scf.for %scan3A_277 = %scan3A_14 to %scan3A_16 step %scan3A_17 iter_args(%scan3A_278 = %scan3A) -> (i32)  : i32 {
      %mul3A_279 = arith.constant 16 : i32
      %mul3A_280 = arith.muli %scan3A_277, %mul3A_279 : i32
      %add3A_281 = vector.broadcast %mul3A_280 : i32 to vector<16xi32>
      %add3A_282 = arith.addi %add3A_281, %iota3A : vector<16xi32>
      %add3A_283 = arith.constant 0 : i32
      %add3A_284 = arith.addi %mul3A_2, %add3A_283 : i32
      %mul3A_285 = arith.constant 784 : i32
      %mul3A_286 = arith.muli %add3A_284, %mul3A_285 : i32
      %add3A_287 = vector.broadcast %mul3A_286 : i32 to vector<16xi32>
      %add3A_288 = arith.addi %add3A_287, %add3A_282 : vector<16xi32>
      %mul3A_289 = arith.constant 8 : i32
      %mul3A_290 = vector.broadcast %mul3A_289 : i32 to vector<16xi32>
      %mul3A_291 = arith.muli %add3A_288, %mul3A_290 : vector<16xi32>
      %add3A_292 = arith.addi %mul3A_291, %get3A_10 : vector<16xi32>
      %jit3A = arith.constant 7 : i32
      %div3A = arith.divsi %scan3A_277, %jit3A : i32
      %sign3A = arith.constant 0 : i32
      %sign3A_293 = arith.cmpi sgt, %scan3A_277, %sign3A : i32
      %sign3A_294 = arith.extui %sign3A_293 : i1 to i32
      %sign3A_295 = arith.constant 0 : i32
      %sign3A_296 = arith.cmpi slt, %scan3A_277, %sign3A_295 : i32
      %sign3A_297 = arith.extui %sign3A_296 : i1 to i32
      %sign3A_298 = arith.subi %sign3A_294, %sign3A_297 : i32
      %sign3A_299 = arith.constant 0 : i32
      %sign3A_300 = arith.cmpi sgt, %jit3A, %sign3A_299 : i32
      %sign3A_301 = arith.extui %sign3A_300 : i1 to i32
      %sign3A_302 = arith.constant 0 : i32
      %sign3A_303 = arith.cmpi slt, %jit3A, %sign3A_302 : i32
      %sign3A_304 = arith.extui %sign3A_303 : i1 to i32
      %sign3A_305 = arith.subi %sign3A_301, %sign3A_304 : i32
      %ne3A = arith.cmpi ne, %sign3A_298, %sign3A_305 : i32
      %rem3A = arith.remsi %scan3A_277, %jit3A : i32
      %ne3A_306 = arith.constant 0 : i32
      %ne3A_307 = arith.cmpi ne, %rem3A, %ne3A_306 : i32
      %and3A = arith.andi %ne3A, %ne3A_307 : i1
      %sub3A = arith.constant 1 : i32
      %sub3A_308 = arith.subi %div3A, %sub3A : i32
      %select_n3A = arith.select %and3A, %sub3A_308, %div3A : i32
      %add3A_309 = arith.constant 0 : i32
      %add3A_310 = arith.addi %add3A_309, %select_n3A : i32
      %jit3A_311 = arith.constant 7 : i32
      %eq3A = arith.constant 0 : i32
      %eq3A_312 = arith.cmpi eq, %jit3A_311, %eq3A : i32
      %jit3A_313 = arith.constant 1 : i32
      %select_n3A_314 = arith.select %eq3A_312, %jit3A_313, %jit3A_311 : i32
      %rem3A_315 = arith.remsi %scan3A_277, %select_n3A_314 : i32
      %ne3A_316 = arith.constant 0 : i32
      %ne3A_317 = arith.cmpi ne, %rem3A_315, %ne3A_316 : i32
      %lt3A = arith.constant 0 : i32
      %lt3A_318 = arith.cmpi slt, %rem3A_315, %lt3A : i32
      %lt3A_319 = arith.constant 0 : i32
      %lt3A_320 = arith.cmpi slt, %select_n3A_314, %lt3A_319 : i32
      %ne3A_321 = arith.xori %lt3A_318, %lt3A_320 : i1
      %and3A_322 = arith.andi %ne3A_321, %ne3A_317 : i1
      %add3A_323 = arith.addi %rem3A_315, %select_n3A_314 : i32
      %select_n3A_324 = arith.select %and3A_322, %add3A_323, %rem3A_315 : i32
      %mul3A_325 = arith.constant 16 : i32
      %mul3A_326 = arith.muli %select_n3A_324, %mul3A_325 : i32
      %swap3A = arith.index_cast %add3A_310 : i32 to index
      %swap3A_327 = arith.index_cast %mul3A_326 : i32 to index
      %swap3A_328 = tpu.vector_load %arg5[%swap3A, %swap3A_327] {strides = array<i32>} : memref<14x112xi32, #tpu.memory_space<vmem>>, vector<1x16xi32>,
      %swap3A_329 = vector.shape_cast %swap3A_328 : vector<1x16xi32> to vector<16xi32>
      %swap3A_330 = vector.shape_cast %add3A_292 : vector<16xi32> to vector<1x16xi32>
      tpu.vector_store %arg5[%swap3A, %swap3A_327], %swap3A_330 {strides = array<i32>} : memref<14x112xi32, #tpu.memory_space<vmem>>, vector<1x16xi32>,
      %scan3A_331 = arith.constant 0 : i32
      scf.yield %scan3A_331 : i32
    }
    %scan3A_19 = arith.constant 49 : i32
    %scan3A_20 = arith.constant 0 : i32
    %scan3A_21 = arith.constant 0 : i32
    %scan3A_22 = arith.constant 49 : i32
    %scan3A_23 = arith.addi %scan3A_21, %scan3A_22 : i32
    %scan3A_24 = arith.constant 1 : i32
    %scan3A_25 = scf.for %scan3A_277 = %scan3A_21 to %scan3A_23 step %scan3A_24 iter_args(%scan3A_278 = %scan3A_20) -> (i32)  : i32 {
      %mul3A_279 = arith.constant 16 : i32
      %mul3A_280 = arith.muli %scan3A_277, %mul3A_279 : i32
      %add3A_281 = vector.broadcast %mul3A_280 : i32 to vector<16xi32>
      %add3A_282 = arith.addi %add3A_281, %iota3A : vector<16xi32>
      %add3A_283 = arith.constant 1 : i32
      %add3A_284 = arith.addi %mul3A_2, %add3A_283 : i32
      %mul3A_285 = arith.constant 784 : i32
      %mul3A_286 = arith.muli %add3A_284, %mul3A_285 : i32
      %add3A_287 = vector.broadcast %mul3A_286 : i32 to vector<16xi32>
      %add3A_288 = arith.addi %add3A_287, %add3A_282 : vector<16xi32>
      %mul3A_289 = arith.constant 8 : i32
      %mul3A_290 = vector.broadcast %mul3A_289 : i32 to vector<16xi32>
      %mul3A_291 = arith.muli %add3A_288, %mul3A_290 : vector<16xi32>
      %add3A_292 = arith.addi %mul3A_291, %get3A_13 : vector<16xi32>
      %jit3A = arith.constant 7 : i32
      %div3A = arith.divsi %scan3A_277, %jit3A : i32
      %sign3A = arith.constant 0 : i32
      %sign3A_293 = arith.cmpi sgt, %scan3A_277, %sign3A : i32
      %sign3A_294 = arith.extui %sign3A_293 : i1 to i32
      %sign3A_295 = arith.constant 0 : i32
      %sign3A_296 = arith.cmpi slt, %scan3A_277, %sign3A_295 : i32
      %sign3A_297 = arith.extui %sign3A_296 : i1 to i32
      %sign3A_298 = arith.subi %sign3A_294, %sign3A_297 : i32
      %sign3A_299 = arith.constant 0 : i32
      %sign3A_300 = arith.cmpi sgt, %jit3A, %sign3A_299 : i32
      %sign3A_301 = arith.extui %sign3A_300 : i1 to i32
      %sign3A_302 = arith.constant 0 : i32
      %sign3A_303 = arith.cmpi slt, %jit3A, %sign3A_302 : i32
      %sign3A_304 = arith.extui %sign3A_303 : i1 to i32
      %sign3A_305 = arith.subi %sign3A_301, %sign3A_304 : i32
      %ne3A = arith.cmpi ne, %sign3A_298, %sign3A_305 : i32
      %rem3A = arith.remsi %scan3A_277, %jit3A : i32
      %ne3A_306 = arith.constant 0 : i32
      %ne3A_307 = arith.cmpi ne, %rem3A, %ne3A_306 : i32
      %and3A = arith.andi %ne3A, %ne3A_307 : i1
      %sub3A = arith.constant 1 : i32
      %sub3A_308 = arith.subi %div3A, %sub3A : i32
      %select_n3A = arith.select %and3A, %sub3A_308, %div3A : i32
      %add3A_309 = arith.constant 7 : i32
      %add3A_310 = arith.addi %add3A_309, %select_n3A : i32
      %jit3A_311 = arith.constant 7 : i32
      %eq3A = arith.constant 0 : i32
      %eq3A_312 = arith.cmpi eq, %jit3A_311, %eq3A : i32
      %jit3A_313 = arith.constant 1 : i32
      %select_n3A_314 = arith.select %eq3A_312, %jit3A_313, %jit3A_311 : i32
      %rem3A_315 = arith.remsi %scan3A_277, %select_n3A_314 : i32
      %ne3A_316 = arith.constant 0 : i32
      %ne3A_317 = arith.cmpi ne, %rem3A_315, %ne3A_316 : i32
      %lt3A = arith.constant 0 : i32
      %lt3A_318 = arith.cmpi slt, %rem3A_315, %lt3A : i32
      %lt3A_319 = arith.constant 0 : i32
      %lt3A_320 = arith.cmpi slt, %select_n3A_314, %lt3A_319 : i32
      %ne3A_321 = arith.xori %lt3A_318, %lt3A_320 : i1
      %and3A_322 = arith.andi %ne3A_321, %ne3A_317 : i1
      %add3A_323 = arith.addi %rem3A_315, %select_n3A_314 : i32
      %select_n3A_324 = arith.select %and3A_322, %add3A_323, %rem3A_315 : i32
      %mul3A_325 = arith.constant 16 : i32
      %mul3A_326 = arith.muli %select_n3A_324, %mul3A_325 : i32
      %swap3A = arith.index_cast %add3A_310 : i32 to index
      %swap3A_327 = arith.index_cast %mul3A_326 : i32 to index
      %swap3A_328 = tpu.vector_load %arg5[%swap3A, %swap3A_327] {strides = array<i32>} : memref<14x112xi32, #tpu.memory_space<vmem>>, vector<1x16xi32>,
      %swap3A_329 = vector.shape_cast %swap3A_328 : vector<1x16xi32> to vector<16xi32>
      %swap3A_330 = vector.shape_cast %add3A_292 : vector<16xi32> to vector<1x16xi32>
      tpu.vector_store %arg5[%swap3A, %swap3A_327], %swap3A_330 {strides = array<i32>} : memref<14x112xi32, #tpu.memory_space<vmem>>, vector<1x16xi32>,
      %scan3A_331 = arith.constant 0 : i32
      scf.yield %scan3A_331 : i32
    }
    %scan3A_26 = arith.constant 49 : i32
    %dma_start3A = arith.constant 0 : i32
    %dma_start3A_27 = arith.constant 0 : i32
    %dma_start3A_28 = tpu.memref_slice %arg5[%dma_start3A, %dma_start3A_27] : memref<14x112xi32, #tpu.memory_space<vmem>> -> memref<1x112xi32, #tpu.memory_space<vmem>>
    %dma_start3A_29 = tpu.memref_squeeze %dma_start3A_28 : memref<1x112xi32, #tpu.memory_space<vmem>> -> memref<112xi32, #tpu.memory_space<vmem>>
    %dma_start3A_30 = arith.constant 0 : i32
    %dma_start3A_31 = arith.constant 0 : i32
    %dma_start3A_32 = tpu.memref_slice %arg2[%dma_start3A_30, %dma_start3A_31] : memref<401408x96xf32, #tpu.memory_space<hbm>> -> memref<401408x96xf32, #tpu.memory_space<hbm>>
    tpu.enqueue_indirect_dma source(%dma_start3A_32 : memref<401408x96xf32, #tpu.memory_space<hbm>>) target(%arg8 : memref<112x96xf32, #tpu.memory_space<vmem>>) offsets(%dma_start3A_29 : memref<112xi32, #tpu.memory_space<vmem>>) semaphore(%arg10 : memref<!tpu.dma_semaphore, #tpu.memory_space<semaphore_mem>>)
    %dma_start3A_33 = arith.constant 1 : i32
    %dma_start3A_34 = arith.constant 0 : i32
    %dma_start3A_35 = tpu.memref_slice %arg5[%dma_start3A_33, %dma_start3A_34] : memref<14x112xi32, #tpu.memory_space<vmem>> -> memref<1x112xi32, #tpu.memory_space<vmem>>
    %dma_start3A_36 = tpu.memref_squeeze %dma_start3A_35 : memref<1x112xi32, #tpu.memory_space<vmem>> -> memref<112xi32, #tpu.memory_space<vmem>>
    %dma_start3A_37 = arith.constant 0 : i32
    %dma_start3A_38 = arith.constant 0 : i32
    %dma_start3A_39 = tpu.memref_slice %arg2[%dma_start3A_37, %dma_start3A_38] : memref<401408x96xf32, #tpu.memory_space<hbm>> -> memref<401408x96xf32, #tpu.memory_space<hbm>>
    tpu.enqueue_indirect_dma source(%dma_start3A_39 : memref<401408x96xf32, #tpu.memory_space<hbm>>) target(%arg9 : memref<112x96xf32, #tpu.memory_space<vmem>>) offsets(%dma_start3A_36 : memref<112xi32, #tpu.memory_space<vmem>>) semaphore(%arg11 : memref<!tpu.dma_semaphore, #tpu.memory_space<semaphore_mem>>)
    %dma_wait3A = arith.constant 0 : i32
    %dma_wait3A_40 = arith.constant 0 : i32
    %dma_wait3A_41 = tpu.memref_slice %arg5[%dma_wait3A, %dma_wait3A_40] : memref<14x112xi32, #tpu.memory_space<vmem>> -> memref<1x112xi32, #tpu.memory_space<vmem>>
    %dma_wait3A_42 = tpu.memref_squeeze %dma_wait3A_41 : memref<1x112xi32, #tpu.memory_space<vmem>> -> memref<112xi32, #tpu.memory_space<vmem>>
    %dma_wait3A_43 = arith.constant 0 : i32
    %dma_wait3A_44 = arith.constant 0 : i32
    %dma_wait3A_45 = tpu.memref_slice %arg2[%dma_wait3A_43, %dma_wait3A_44] : memref<401408x96xf32, #tpu.memory_space<hbm>> -> memref<401408x96xf32, #tpu.memory_space<hbm>>
    tpu.wait_indirect_dma semaphore(%arg10 : memref<!tpu.dma_semaphore, #tpu.memory_space<semaphore_mem>>) src(%dma_wait3A_45 : memref<401408x96xf32, #tpu.memory_space<hbm>>) dst(%arg8 : memref<112x96xf32, #tpu.memory_space<vmem>>)
    %mul3A_46 = arith.constant 784 : i32
    %mul3A_47 = arith.muli %mul3A_2, %mul3A_46 : i32
    %add3A_48 = arith.constant 0 : i32
    %add3A_49 = arith.addi %mul3A_47, %add3A_48 : i32
    "tpu.region"() ({
      %run_scoped3A = tpu.sem_alloc : memref<!tpu.dma_semaphore, #tpu.memory_space<semaphore_mem>>
      %dma_start3A_277 = arith.constant 0 : i32
      %dma_start3A_278 = tpu.memref_slice %arg4[%add3A_49, %dma_start3A_277] : memref<50176x96xf32, #tpu.memory_space<hbm>> -> memref<112x96xf32, #tpu.memory_space<hbm>>
      %dma_start3A_279 = arith.constant 0 : i32
      %dma_start3A_280 = tpu.memref_slice %arg4[%add3A_49, %dma_start3A_279] : memref<50176x96xf32, #tpu.memory_space<hbm>> -> memref<112x96xf32, #tpu.memory_space<hbm>>
      tpu.enqueue_dma source(%arg8 : memref<112x96xf32, #tpu.memory_space<vmem>>) target(%dma_start3A_280 : memref<112x96xf32, #tpu.memory_space<hbm>>) target_semaphore(%run_scoped3A : memref<!tpu.dma_semaphore, #tpu.memory_space<semaphore_mem>>)
      %dma_wait3A_281 = arith.constant 0 : i32
      %dma_wait3A_282 = tpu.memref_slice %arg4[%add3A_49, %dma_wait3A_281] : memref<50176x96xf32, #tpu.memory_space<hbm>> -> memref<112x96xf32, #tpu.memory_space<hbm>>
      %dma_wait3A_283 = arith.constant 0 : i32
      %dma_wait3A_284 = tpu.memref_slice %arg4[%add3A_49, %dma_wait3A_283] : memref<50176x96xf32, #tpu.memory_space<hbm>> -> memref<112x96xf32, #tpu.memory_space<hbm>>
      tpu.wait_dma2 semaphore(%run_scoped3A : memref<!tpu.dma_semaphore, #tpu.memory_space<semaphore_mem>>) src(%arg8 : memref<112x96xf32, #tpu.memory_space<vmem>>) dst(%dma_wait3A_284 : memref<112x96xf32, #tpu.memory_space<hbm>>)
      tpu.yield
    }) : () -> ()
    %dma_start3A_50 = arith.constant 2 : i32
    %dma_start3A_51 = arith.constant 0 : i32
    %dma_start3A_52 = tpu.memref_slice %arg5[%dma_start3A_50, %dma_start3A_51] : memref<14x112xi32, #tpu.memory_space<vmem>> -> memref<1x112xi32, #tpu.memory_space<vmem>>
    %dma_start3A_53 = tpu.memref_squeeze %dma_start3A_52 : memref<1x112xi32, #tpu.memory_space<vmem>> -> memref<112xi32, #tpu.memory_space<vmem>>
    %dma_start3A_54 = arith.constant 0 : i32
    %dma_start3A_55 = arith.constant 0 : i32
    %dma_start3A_56 = tpu.memref_slice %arg2[%dma_start3A_54, %dma_start3A_55] : memref<401408x96xf32, #tpu.memory_space<hbm>> -> memref<401408x96xf32, #tpu.memory_space<hbm>>
    tpu.enqueue_indirect_dma source(%dma_start3A_56 : memref<401408x96xf32, #tpu.memory_space<hbm>>) target(%arg8 : memref<112x96xf32, #tpu.memory_space<vmem>>) offsets(%dma_start3A_53 : memref<112xi32, #tpu.memory_space<vmem>>) semaphore(%arg10 : memref<!tpu.dma_semaphore, #tpu.memory_space<semaphore_mem>>)
    %dma_wait3A_57 = arith.constant 1 : i32
    %dma_wait3A_58 = arith.constant 0 : i32
    %dma_wait3A_59 = tpu.memref_slice %arg5[%dma_wait3A_57, %dma_wait3A_58] : memref<14x112xi32, #tpu.memory_space<vmem>> -> memref<1x112xi32, #tpu.memory_space<vmem>>
    %dma_wait3A_60 = tpu.memref_squeeze %dma_wait3A_59 : memref<1x112xi32, #tpu.memory_space<vmem>> -> memref<112xi32, #tpu.memory_space<vmem>>
    %dma_wait3A_61 = arith.constant 0 : i32
    %dma_wait3A_62 = arith.constant 0 : i32
    %dma_wait3A_63 = tpu.memref_slice %arg2[%dma_wait3A_61, %dma_wait3A_62] : memref<401408x96xf32, #tpu.memory_space<hbm>> -> memref<401408x96xf32, #tpu.memory_space<hbm>>
    tpu.wait_indirect_dma semaphore(%arg11 : memref<!tpu.dma_semaphore, #tpu.memory_space<semaphore_mem>>) src(%dma_wait3A_63 : memref<401408x96xf32, #tpu.memory_space<hbm>>) dst(%arg9 : memref<112x96xf32, #tpu.memory_space<vmem>>)
    %mul3A_64 = arith.constant 784 : i32
    %mul3A_65 = arith.muli %mul3A_2, %mul3A_64 : i32
    %add3A_66 = arith.constant 112 : i32
    %add3A_67 = arith.addi %mul3A_65, %add3A_66 : i32
    "tpu.region"() ({
      %run_scoped3A = tpu.sem_alloc : memref<!tpu.dma_semaphore, #tpu.memory_space<semaphore_mem>>
      %dma_start3A_277 = arith.constant 0 : i32
      %dma_start3A_278 = tpu.memref_slice %arg4[%add3A_67, %dma_start3A_277] : memref<50176x96xf32, #tpu.memory_space<hbm>> -> memref<112x96xf32, #tpu.memory_space<hbm>>
      %dma_start3A_279 = arith.constant 0 : i32
      %dma_start3A_280 = tpu.memref_slice %arg4[%add3A_67, %dma_start3A_279] : memref<50176x96xf32, #tpu.memory_space<hbm>> -> memref<112x96xf32, #tpu.memory_space<hbm>>
      tpu.enqueue_dma source(%arg9 : memref<112x96xf32, #tpu.memory_space<vmem>>) target(%dma_start3A_280 : memref<112x96xf32, #tpu.memory_space<hbm>>) target_semaphore(%run_scoped3A : memref<!tpu.dma_semaphore, #tpu.memory_space<semaphore_mem>>)
      %dma_wait3A_281 = arith.constant 0 : i32
      %dma_wait3A_282 = tpu.memref_slice %arg4[%add3A_67, %dma_wait3A_281] : memref<50176x96xf32, #tpu.memory_space<hbm>> -> memref<112x96xf32, #tpu.memory_space<hbm>>
      %dma_wait3A_283 = arith.constant 0 : i32
      %dma_wait3A_284 = tpu.memref_slice %arg4[%add3A_67, %dma_wait3A_283] : memref<50176x96xf32, #tpu.memory_space<hbm>> -> memref<112x96xf32, #tpu.memory_space<hbm>>
      tpu.wait_dma2 semaphore(%run_scoped3A : memref<!tpu.dma_semaphore, #tpu.memory_space<semaphore_mem>>) src(%arg9 : memref<112x96xf32, #tpu.memory_space<vmem>>) dst(%dma_wait3A_284 : memref<112x96xf32, #tpu.memory_space<hbm>>)
      tpu.yield
    }) : () -> ()
    %dma_start3A_68 = arith.constant 3 : i32
    %dma_start3A_69 = arith.constant 0 : i32
    %dma_start3A_70 = tpu.memref_slice %arg5[%dma_start3A_68, %dma_start3A_69] : memref<14x112xi32, #tpu.memory_space<vmem>> -> memref<1x112xi32, #tpu.memory_space<vmem>>
    %dma_start3A_71 = tpu.memref_squeeze %dma_start3A_70 : memref<1x112xi32, #tpu.memory_space<vmem>> -> memref<112xi32, #tpu.memory_space<vmem>>
    %dma_start3A_72 = arith.constant 0 : i32
    %dma_start3A_73 = arith.constant 0 : i32
    %dma_start3A_74 = tpu.memref_slice %arg2[%dma_start3A_72, %dma_start3A_73] : memref<401408x96xf32, #tpu.memory_space<hbm>> -> memref<401408x96xf32, #tpu.memory_space<hbm>>
    tpu.enqueue_indirect_dma source(%dma_start3A_74 : memref<401408x96xf32, #tpu.memory_space<hbm>>) target(%arg9 : memref<112x96xf32, #tpu.memory_space<vmem>>) offsets(%dma_start3A_71 : memref<112xi32, #tpu.memory_space<vmem>>) semaphore(%arg11 : memref<!tpu.dma_semaphore, #tpu.memory_space<semaphore_mem>>)
    %dma_wait3A_75 = arith.constant 2 : i32
    %dma_wait3A_76 = arith.constant 0 : i32
    %dma_wait3A_77 = tpu.memref_slice %arg5[%dma_wait3A_75, %dma_wait3A_76] : memref<14x112xi32, #tpu.memory_space<vmem>> -> memref<1x112xi32, #tpu.memory_space<vmem>>
    %dma_wait3A_78 = tpu.memref_squeeze %dma_wait3A_77 : memref<1x112xi32, #tpu.memory_space<vmem>> -> memref<112xi32, #tpu.memory_space<vmem>>
    %dma_wait3A_79 = arith.constant 0 : i32
    %dma_wait3A_80 = arith.constant 0 : i32
    %dma_wait3A_81 = tpu.memref_slice %arg2[%dma_wait3A_79, %dma_wait3A_80] : memref<401408x96xf32, #tpu.memory_space<hbm>> -> memref<401408x96xf32, #tpu.memory_space<hbm>>
    tpu.wait_indirect_dma semaphore(%arg10 : memref<!tpu.dma_semaphore, #tpu.memory_space<semaphore_mem>>) src(%dma_wait3A_81 : memref<401408x96xf32, #tpu.memory_space<hbm>>) dst(%arg8 : memref<112x96xf32, #tpu.memory_space<vmem>>)
    %mul3A_82 = arith.constant 784 : i32
    %mul3A_83 = arith.muli %mul3A_2, %mul3A_82 : i32
    %add3A_84 = arith.constant 224 : i32
    %add3A_85 = arith.addi %mul3A_83, %add3A_84 : i32
    "tpu.region"() ({
      %run_scoped3A = tpu.sem_alloc : memref<!tpu.dma_semaphore, #tpu.memory_space<semaphore_mem>>
      %dma_start3A_277 = arith.constant 0 : i32
      %dma_start3A_278 = tpu.memref_slice %arg4[%add3A_85, %dma_start3A_277] : memref<50176x96xf32, #tpu.memory_space<hbm>> -> memref<112x96xf32, #tpu.memory_space<hbm>>
      %dma_start3A_279 = arith.constant 0 : i32
      %dma_start3A_280 = tpu.memref_slice %arg4[%add3A_85, %dma_start3A_279] : memref<50176x96xf32, #tpu.memory_space<hbm>> -> memref<112x96xf32, #tpu.memory_space<hbm>>
      tpu.enqueue_dma source(%arg8 : memref<112x96xf32, #tpu.memory_space<vmem>>) target(%dma_start3A_280 : memref<112x96xf32, #tpu.memory_space<hbm>>) target_semaphore(%run_scoped3A : memref<!tpu.dma_semaphore, #tpu.memory_space<semaphore_mem>>)
      %dma_wait3A_281 = arith.constant 0 : i32
      %dma_wait3A_282 = tpu.memref_slice %arg4[%add3A_85, %dma_wait3A_281] : memref<50176x96xf32, #tpu.memory_space<hbm>> -> memref<112x96xf32, #tpu.memory_space<hbm>>
      %dma_wait3A_283 = arith.constant 0 : i32
      %dma_wait3A_284 = tpu.memref_slice %arg4[%add3A_85, %dma_wait3A_283] : memref<50176x96xf32, #tpu.memory_space<hbm>> -> memref<112x96xf32, #tpu.memory_space<hbm>>
      tpu.wait_dma2 semaphore(%run_scoped3A : memref<!tpu.dma_semaphore, #tpu.memory_space<semaphore_mem>>) src(%arg8 : memref<112x96xf32, #tpu.memory_space<vmem>>) dst(%dma_wait3A_284 : memref<112x96xf32, #tpu.memory_space<hbm>>)
      tpu.yield
    }) : () -> ()
    %dma_start3A_86 = arith.constant 4 : i32
    %dma_start3A_87 = arith.constant 0 : i32
    %dma_start3A_88 = tpu.memref_slice %arg5[%dma_start3A_86, %dma_start3A_87] : memref<14x112xi32, #tpu.memory_space<vmem>> -> memref<1x112xi32, #tpu.memory_space<vmem>>
    %dma_start3A_89 = tpu.memref_squeeze %dma_start3A_88 : memref<1x112xi32, #tpu.memory_space<vmem>> -> memref<112xi32, #tpu.memory_space<vmem>>
    %dma_start3A_90 = arith.constant 0 : i32
    %dma_start3A_91 = arith.constant 0 : i32
    %dma_start3A_92 = tpu.memref_slice %arg2[%dma_start3A_90, %dma_start3A_91] : memref<401408x96xf32, #tpu.memory_space<hbm>> -> memref<401408x96xf32, #tpu.memory_space<hbm>>
    tpu.enqueue_indirect_dma source(%dma_start3A_92 : memref<401408x96xf32, #tpu.memory_space<hbm>>) target(%arg8 : memref<112x96xf32, #tpu.memory_space<vmem>>) offsets(%dma_start3A_89 : memref<112xi32, #tpu.memory_space<vmem>>) semaphore(%arg10 : memref<!tpu.dma_semaphore, #tpu.memory_space<semaphore_mem>>)
    %dma_wait3A_93 = arith.constant 3 : i32
    %dma_wait3A_94 = arith.constant 0 : i32
    %dma_wait3A_95 = tpu.memref_slice %arg5[%dma_wait3A_93, %dma_wait3A_94] : memref<14x112xi32, #tpu.memory_space<vmem>> -> memref<1x112xi32, #tpu.memory_space<vmem>>
    %dma_wait3A_96 = tpu.memref_squeeze %dma_wait3A_95 : memref<1x112xi32, #tpu.memory_space<vmem>> -> memref<112xi32, #tpu.memory_space<vmem>>
    %dma_wait3A_97 = arith.constant 0 : i32
    %dma_wait3A_98 = arith.constant 0 : i32
    %dma_wait3A_99 = tpu.memref_slice %arg2[%dma_wait3A_97, %dma_wait3A_98] : memref<401408x96xf32, #tpu.memory_space<hbm>> -> memref<401408x96xf32, #tpu.memory_space<hbm>>
    tpu.wait_indirect_dma semaphore(%arg11 : memref<!tpu.dma_semaphore, #tpu.memory_space<semaphore_mem>>) src(%dma_wait3A_99 : memref<401408x96xf32, #tpu.memory_space<hbm>>) dst(%arg9 : memref<112x96xf32, #tpu.memory_space<vmem>>)
    %mul3A_100 = arith.constant 784 : i32
    %mul3A_101 = arith.muli %mul3A_2, %mul3A_100 : i32
    %add3A_102 = arith.constant 336 : i32
    %add3A_103 = arith.addi %mul3A_101, %add3A_102 : i32
    "tpu.region"() ({
      %run_scoped3A = tpu.sem_alloc : memref<!tpu.dma_semaphore, #tpu.memory_space<semaphore_mem>>
      %dma_start3A_277 = arith.constant 0 : i32
      %dma_start3A_278 = tpu.memref_slice %arg4[%add3A_103, %dma_start3A_277] : memref<50176x96xf32, #tpu.memory_space<hbm>> -> memref<112x96xf32, #tpu.memory_space<hbm>>
      %dma_start3A_279 = arith.constant 0 : i32
      %dma_start3A_280 = tpu.memref_slice %arg4[%add3A_103, %dma_start3A_279] : memref<50176x96xf32, #tpu.memory_space<hbm>> -> memref<112x96xf32, #tpu.memory_space<hbm>>
      tpu.enqueue_dma source(%arg9 : memref<112x96xf32, #tpu.memory_space<vmem>>) target(%dma_start3A_280 : memref<112x96xf32, #tpu.memory_space<hbm>>) target_semaphore(%run_scoped3A : memref<!tpu.dma_semaphore, #tpu.memory_space<semaphore_mem>>)
      %dma_wait3A_281 = arith.constant 0 : i32
      %dma_wait3A_282 = tpu.memref_slice %arg4[%add3A_103, %dma_wait3A_281] : memref<50176x96xf32, #tpu.memory_space<hbm>> -> memref<112x96xf32, #tpu.memory_space<hbm>>
      %dma_wait3A_283 = arith.constant 0 : i32
      %dma_wait3A_284 = tpu.memref_slice %arg4[%add3A_103, %dma_wait3A_283] : memref<50176x96xf32, #tpu.memory_space<hbm>> -> memref<112x96xf32, #tpu.memory_space<hbm>>
      tpu.wait_dma2 semaphore(%run_scoped3A : memref<!tpu.dma_semaphore, #tpu.memory_space<semaphore_mem>>) src(%arg9 : memref<112x96xf32, #tpu.memory_space<vmem>>) dst(%dma_wait3A_284 : memref<112x96xf32, #tpu.memory_space<hbm>>)
      tpu.yield
    }) : () -> ()
    %dma_start3A_104 = arith.constant 5 : i32
    %dma_start3A_105 = arith.constant 0 : i32
    %dma_start3A_106 = tpu.memref_slice %arg5[%dma_start3A_104, %dma_start3A_105] : memref<14x112xi32, #tpu.memory_space<vmem>> -> memref<1x112xi32, #tpu.memory_space<vmem>>
    %dma_start3A_107 = tpu.memref_squeeze %dma_start3A_106 : memref<1x112xi32, #tpu.memory_space<vmem>> -> memref<112xi32, #tpu.memory_space<vmem>>
    %dma_start3A_108 = arith.constant 0 : i32
    %dma_start3A_109 = arith.constant 0 : i32
    %dma_start3A_110 = tpu.memref_slice %arg2[%dma_start3A_108, %dma_start3A_109] : memref<401408x96xf32, #tpu.memory_space<hbm>> -> memref<401408x96xf32, #tpu.memory_space<hbm>>
    tpu.enqueue_indirect_dma source(%dma_start3A_110 : memref<401408x96xf32, #tpu.memory_space<hbm>>) target(%arg9 : memref<112x96xf32, #tpu.memory_space<vmem>>) offsets(%dma_start3A_107 : memref<112xi32, #tpu.memory_space<vmem>>) semaphore(%arg11 : memref<!tpu.dma_semaphore, #tpu.memory_space<semaphore_mem>>)
    %dma_wait3A_111 = arith.constant 4 : i32
    %dma_wait3A_112 = arith.constant 0 : i32
    %dma_wait3A_113 = tpu.memref_slice %arg5[%dma_wait3A_111, %dma_wait3A_112] : memref<14x112xi32, #tpu.memory_space<vmem>> -> memref<1x112xi32, #tpu.memory_space<vmem>>
    %dma_wait3A_114 = tpu.memref_squeeze %dma_wait3A_113 : memref<1x112xi32, #tpu.memory_space<vmem>> -> memref<112xi32, #tpu.memory_space<vmem>>
    %dma_wait3A_115 = arith.constant 0 : i32
    %dma_wait3A_116 = arith.constant 0 : i32
    %dma_wait3A_117 = tpu.memref_slice %arg2[%dma_wait3A_115, %dma_wait3A_116] : memref<401408x96xf32, #tpu.memory_space<hbm>> -> memref<401408x96xf32, #tpu.memory_space<hbm>>
    tpu.wait_indirect_dma semaphore(%arg10 : memref<!tpu.dma_semaphore, #tpu.memory_space<semaphore_mem>>) src(%dma_wait3A_117 : memref<401408x96xf32, #tpu.memory_space<hbm>>) dst(%arg8 : memref<112x96xf32, #tpu.memory_space<vmem>>)
    %mul3A_118 = arith.constant 784 : i32
    %mul3A_119 = arith.muli %mul3A_2, %mul3A_118 : i32
    %add3A_120 = arith.constant 448 : i32
    %add3A_121 = arith.addi %mul3A_119, %add3A_120 : i32
    "tpu.region"() ({
      %run_scoped3A = tpu.sem_alloc : memref<!tpu.dma_semaphore, #tpu.memory_space<semaphore_mem>>
      %dma_start3A_277 = arith.constant 0 : i32
      %dma_start3A_278 = tpu.memref_slice %arg4[%add3A_121, %dma_start3A_277] : memref<50176x96xf32, #tpu.memory_space<hbm>> -> memref<112x96xf32, #tpu.memory_space<hbm>>
      %dma_start3A_279 = arith.constant 0 : i32
      %dma_start3A_280 = tpu.memref_slice %arg4[%add3A_121, %dma_start3A_279] : memref<50176x96xf32, #tpu.memory_space<hbm>> -> memref<112x96xf32, #tpu.memory_space<hbm>>
      tpu.enqueue_dma source(%arg8 : memref<112x96xf32, #tpu.memory_space<vmem>>) target(%dma_start3A_280 : memref<112x96xf32, #tpu.memory_space<hbm>>) target_semaphore(%run_scoped3A : memref<!tpu.dma_semaphore, #tpu.memory_space<semaphore_mem>>)
      %dma_wait3A_281 = arith.constant 0 : i32
      %dma_wait3A_282 = tpu.memref_slice %arg4[%add3A_121, %dma_wait3A_281] : memref<50176x96xf32, #tpu.memory_space<hbm>> -> memref<112x96xf32, #tpu.memory_space<hbm>>
      %dma_wait3A_283 = arith.constant 0 : i32
      %dma_wait3A_284 = tpu.memref_slice %arg4[%add3A_121, %dma_wait3A_283] : memref<50176x96xf32, #tpu.memory_space<hbm>> -> memref<112x96xf32, #tpu.memory_space<hbm>>
      tpu.wait_dma2 semaphore(%run_scoped3A : memref<!tpu.dma_semaphore, #tpu.memory_space<semaphore_mem>>) src(%arg8 : memref<112x96xf32, #tpu.memory_space<vmem>>) dst(%dma_wait3A_284 : memref<112x96xf32, #tpu.memory_space<hbm>>)
      tpu.yield
    }) : () -> ()
    %dma_start3A_122 = arith.constant 6 : i32
    %dma_start3A_123 = arith.constant 0 : i32
    %dma_start3A_124 = tpu.memref_slice %arg5[%dma_start3A_122, %dma_start3A_123] : memref<14x112xi32, #tpu.memory_space<vmem>> -> memref<1x112xi32, #tpu.memory_space<vmem>>
    %dma_start3A_125 = tpu.memref_squeeze %dma_start3A_124 : memref<1x112xi32, #tpu.memory_space<vmem>> -> memref<112xi32, #tpu.memory_space<vmem>>
    %dma_start3A_126 = arith.constant 0 : i32
    %dma_start3A_127 = arith.constant 0 : i32
    %dma_start3A_128 = tpu.memref_slice %arg2[%dma_start3A_126, %dma_start3A_127] : memref<401408x96xf32, #tpu.memory_space<hbm>> -> memref<401408x96xf32, #tpu.memory_space<hbm>>
    tpu.enqueue_indirect_dma source(%dma_start3A_128 : memref<401408x96xf32, #tpu.memory_space<hbm>>) target(%arg8 : memref<112x96xf32, #tpu.memory_space<vmem>>) offsets(%dma_start3A_125 : memref<112xi32, #tpu.memory_space<vmem>>) semaphore(%arg10 : memref<!tpu.dma_semaphore, #tpu.memory_space<semaphore_mem>>)
    %dma_wait3A_129 = arith.constant 5 : i32
    %dma_wait3A_130 = arith.constant 0 : i32
    %dma_wait3A_131 = tpu.memref_slice %arg5[%dma_wait3A_129, %dma_wait3A_130] : memref<14x112xi32, #tpu.memory_space<vmem>> -> memref<1x112xi32, #tpu.memory_space<vmem>>
    %dma_wait3A_132 = tpu.memref_squeeze %dma_wait3A_131 : memref<1x112xi32, #tpu.memory_space<vmem>> -> memref<112xi32, #tpu.memory_space<vmem>>
    %dma_wait3A_133 = arith.constant 0 : i32
    %dma_wait3A_134 = arith.constant 0 : i32
    %dma_wait3A_135 = tpu.memref_slice %arg2[%dma_wait3A_133, %dma_wait3A_134] : memref<401408x96xf32, #tpu.memory_space<hbm>> -> memref<401408x96xf32, #tpu.memory_space<hbm>>
    tpu.wait_indirect_dma semaphore(%arg11 : memref<!tpu.dma_semaphore, #tpu.memory_space<semaphore_mem>>) src(%dma_wait3A_135 : memref<401408x96xf32, #tpu.memory_space<hbm>>) dst(%arg9 : memref<112x96xf32, #tpu.memory_space<vmem>>)
    %mul3A_136 = arith.constant 784 : i32
    %mul3A_137 = arith.muli %mul3A_2, %mul3A_136 : i32
    %add3A_138 = arith.constant 560 : i32
    %add3A_139 = arith.addi %mul3A_137, %add3A_138 : i32
    "tpu.region"() ({
      %run_scoped3A = tpu.sem_alloc : memref<!tpu.dma_semaphore, #tpu.memory_space<semaphore_mem>>
      %dma_start3A_277 = arith.constant 0 : i32
      %dma_start3A_278 = tpu.memref_slice %arg4[%add3A_139, %dma_start3A_277] : memref<50176x96xf32, #tpu.memory_space<hbm>> -> memref<112x96xf32, #tpu.memory_space<hbm>>
      %dma_start3A_279 = arith.constant 0 : i32
      %dma_start3A_280 = tpu.memref_slice %arg4[%add3A_139, %dma_start3A_279] : memref<50176x96xf32, #tpu.memory_space<hbm>> -> memref<112x96xf32, #tpu.memory_space<hbm>>
      tpu.enqueue_dma source(%arg9 : memref<112x96xf32, #tpu.memory_space<vmem>>) target(%dma_start3A_280 : memref<112x96xf32, #tpu.memory_space<hbm>>) target_semaphore(%run_scoped3A : memref<!tpu.dma_semaphore, #tpu.memory_space<semaphore_mem>>)
      %dma_wait3A_281 = arith.constant 0 : i32
      %dma_wait3A_282 = tpu.memref_slice %arg4[%add3A_139, %dma_wait3A_281] : memref<50176x96xf32, #tpu.memory_space<hbm>> -> memref<112x96xf32, #tpu.memory_space<hbm>>
      %dma_wait3A_283 = arith.constant 0 : i32
      %dma_wait3A_284 = tpu.memref_slice %arg4[%add3A_139, %dma_wait3A_283] : memref<50176x96xf32, #tpu.memory_space<hbm>> -> memref<112x96xf32, #tpu.memory_space<hbm>>
      tpu.wait_dma2 semaphore(%run_scoped3A : memref<!tpu.dma_semaphore, #tpu.memory_space<semaphore_mem>>) src(%arg9 : memref<112x96xf32, #tpu.memory_space<vmem>>) dst(%dma_wait3A_284 : memref<112x96xf32, #tpu.memory_space<hbm>>)
      tpu.yield
    }) : () -> ()
    %dma_start3A_140 = arith.constant 7 : i32
    %dma_start3A_141 = arith.constant 0 : i32
    %dma_start3A_142 = tpu.memref_slice %arg5[%dma_start3A_140, %dma_start3A_141] : memref<14x112xi32, #tpu.memory_space<vmem>> -> memref<1x112xi32, #tpu.memory_space<vmem>>
    %dma_start3A_143 = tpu.memref_squeeze %dma_start3A_142 : memref<1x112xi32, #tpu.memory_space<vmem>> -> memref<112xi32, #tpu.memory_space<vmem>>
    %dma_start3A_144 = arith.constant 0 : i32
    %dma_start3A_145 = arith.constant 0 : i32
    %dma_start3A_146 = tpu.memref_slice %arg2[%dma_start3A_144, %dma_start3A_145] : memref<401408x96xf32, #tpu.memory_space<hbm>> -> memref<401408x96xf32, #tpu.memory_space<hbm>>
    tpu.enqueue_indirect_dma source(%dma_start3A_146 : memref<401408x96xf32, #tpu.memory_space<hbm>>) target(%arg9 : memref<112x96xf32, #tpu.memory_space<vmem>>) offsets(%dma_start3A_143 : memref<112xi32, #tpu.memory_space<vmem>>) semaphore(%arg11 : memref<!tpu.dma_semaphore, #tpu.memory_space<semaphore_mem>>)
    %dma_wait3A_147 = arith.constant 6 : i32
    %dma_wait3A_148 = arith.constant 0 : i32
    %dma_wait3A_149 = tpu.memref_slice %arg5[%dma_wait3A_147, %dma_wait3A_148] : memref<14x112xi32, #tpu.memory_space<vmem>> -> memref<1x112xi32, #tpu.memory_space<vmem>>
    %dma_wait3A_150 = tpu.memref_squeeze %dma_wait3A_149 : memref<1x112xi32, #tpu.memory_space<vmem>> -> memref<112xi32, #tpu.memory_space<vmem>>
    %dma_wait3A_151 = arith.constant 0 : i32
    %dma_wait3A_152 = arith.constant 0 : i32
    %dma_wait3A_153 = tpu.memref_slice %arg2[%dma_wait3A_151, %dma_wait3A_152] : memref<401408x96xf32, #tpu.memory_space<hbm>> -> memref<401408x96xf32, #tpu.memory_space<hbm>>
    tpu.wait_indirect_dma semaphore(%arg10 : memref<!tpu.dma_semaphore, #tpu.memory_space<semaphore_mem>>) src(%dma_wait3A_153 : memref<401408x96xf32, #tpu.memory_space<hbm>>) dst(%arg8 : memref<112x96xf32, #tpu.memory_space<vmem>>)
    %mul3A_154 = arith.constant 784 : i32
    %mul3A_155 = arith.muli %mul3A_2, %mul3A_154 : i32
    %add3A_156 = arith.constant 672 : i32
    %add3A_157 = arith.addi %mul3A_155, %add3A_156 : i32
    "tpu.region"() ({
      %run_scoped3A = tpu.sem_alloc : memref<!tpu.dma_semaphore, #tpu.memory_space<semaphore_mem>>
      %dma_start3A_277 = arith.constant 0 : i32
      %dma_start3A_278 = tpu.memref_slice %arg4[%add3A_157, %dma_start3A_277] : memref<50176x96xf32, #tpu.memory_space<hbm>> -> memref<112x96xf32, #tpu.memory_space<hbm>>
      %dma_start3A_279 = arith.constant 0 : i32
      %dma_start3A_280 = tpu.memref_slice %arg4[%add3A_157, %dma_start3A_279] : memref<50176x96xf32, #tpu.memory_space<hbm>> -> memref<112x96xf32, #tpu.memory_space<hbm>>
      tpu.enqueue_dma source(%arg8 : memref<112x96xf32, #tpu.memory_space<vmem>>) target(%dma_start3A_280 : memref<112x96xf32, #tpu.memory_space<hbm>>) target_semaphore(%run_scoped3A : memref<!tpu.dma_semaphore, #tpu.memory_space<semaphore_mem>>)
      %dma_wait3A_281 = arith.constant 0 : i32
      %dma_wait3A_282 = tpu.memref_slice %arg4[%add3A_157, %dma_wait3A_281] : memref<50176x96xf32, #tpu.memory_space<hbm>> -> memref<112x96xf32, #tpu.memory_space<hbm>>
      %dma_wait3A_283 = arith.constant 0 : i32
      %dma_wait3A_284 = tpu.memref_slice %arg4[%add3A_157, %dma_wait3A_283] : memref<50176x96xf32, #tpu.memory_space<hbm>> -> memref<112x96xf32, #tpu.memory_space<hbm>>
      tpu.wait_dma2 semaphore(%run_scoped3A : memref<!tpu.dma_semaphore, #tpu.memory_space<semaphore_mem>>) src(%arg8 : memref<112x96xf32, #tpu.memory_space<vmem>>) dst(%dma_wait3A_284 : memref<112x96xf32, #tpu.memory_space<hbm>>)
      tpu.yield
    }) : () -> ()
    %dma_start3A_158 = arith.constant 8 : i32
    %dma_start3A_159 = arith.constant 0 : i32
    %dma_start3A_160 = tpu.memref_slice %arg5[%dma_start3A_158, %dma_start3A_159] : memref<14x112xi32, #tpu.memory_space<vmem>> -> memref<1x112xi32, #tpu.memory_space<vmem>>
    %dma_start3A_161 = tpu.memref_squeeze %dma_start3A_160 : memref<1x112xi32, #tpu.memory_space<vmem>> -> memref<112xi32, #tpu.memory_space<vmem>>
    %dma_start3A_162 = arith.constant 0 : i32
    %dma_start3A_163 = arith.constant 0 : i32
    %dma_start3A_164 = tpu.memref_slice %arg2[%dma_start3A_162, %dma_start3A_163] : memref<401408x96xf32, #tpu.memory_space<hbm>> -> memref<401408x96xf32, #tpu.memory_space<hbm>>
    tpu.enqueue_indirect_dma source(%dma_start3A_164 : memref<401408x96xf32, #tpu.memory_space<hbm>>) target(%arg8 : memref<112x96xf32, #tpu.memory_space<vmem>>) offsets(%dma_start3A_161 : memref<112xi32, #tpu.memory_space<vmem>>) semaphore(%arg10 : memref<!tpu.dma_semaphore, #tpu.memory_space<semaphore_mem>>)
    %dma_wait3A_165 = arith.constant 7 : i32
    %dma_wait3A_166 = arith.constant 0 : i32
    %dma_wait3A_167 = tpu.memref_slice %arg5[%dma_wait3A_165, %dma_wait3A_166] : memref<14x112xi32, #tpu.memory_space<vmem>> -> memref<1x112xi32, #tpu.memory_space<vmem>>
    %dma_wait3A_168 = tpu.memref_squeeze %dma_wait3A_167 : memref<1x112xi32, #tpu.memory_space<vmem>> -> memref<112xi32, #tpu.memory_space<vmem>>
    %dma_wait3A_169 = arith.constant 0 : i32
    %dma_wait3A_170 = arith.constant 0 : i32
    %dma_wait3A_171 = tpu.memref_slice %arg2[%dma_wait3A_169, %dma_wait3A_170] : memref<401408x96xf32, #tpu.memory_space<hbm>> -> memref<401408x96xf32, #tpu.memory_space<hbm>>
    tpu.wait_indirect_dma semaphore(%arg11 : memref<!tpu.dma_semaphore, #tpu.memory_space<semaphore_mem>>) src(%dma_wait3A_171 : memref<401408x96xf32, #tpu.memory_space<hbm>>) dst(%arg9 : memref<112x96xf32, #tpu.memory_space<vmem>>)
    %mul3A_172 = arith.constant 784 : i32
    %mul3A_173 = arith.muli %mul3A_2, %mul3A_172 : i32
    %add3A_174 = arith.constant 784 : i32
    %add3A_175 = arith.addi %mul3A_173, %add3A_174 : i32
    "tpu.region"() ({
      %run_scoped3A = tpu.sem_alloc : memref<!tpu.dma_semaphore, #tpu.memory_space<semaphore_mem>>
      %dma_start3A_277 = arith.constant 0 : i32
      %dma_start3A_278 = tpu.memref_slice %arg4[%add3A_175, %dma_start3A_277] : memref<50176x96xf32, #tpu.memory_space<hbm>> -> memref<112x96xf32, #tpu.memory_space<hbm>>
      %dma_start3A_279 = arith.constant 0 : i32
      %dma_start3A_280 = tpu.memref_slice %arg4[%add3A_175, %dma_start3A_279] : memref<50176x96xf32, #tpu.memory_space<hbm>> -> memref<112x96xf32, #tpu.memory_space<hbm>>
      tpu.enqueue_dma source(%arg9 : memref<112x96xf32, #tpu.memory_space<vmem>>) target(%dma_start3A_280 : memref<112x96xf32, #tpu.memory_space<hbm>>) target_semaphore(%run_scoped3A : memref<!tpu.dma_semaphore, #tpu.memory_space<semaphore_mem>>)
      %dma_wait3A_281 = arith.constant 0 : i32
      %dma_wait3A_282 = tpu.memref_slice %arg4[%add3A_175, %dma_wait3A_281] : memref<50176x96xf32, #tpu.memory_space<hbm>> -> memref<112x96xf32, #tpu.memory_space<hbm>>
      %dma_wait3A_283 = arith.constant 0 : i32
      %dma_wait3A_284 = tpu.memref_slice %arg4[%add3A_175, %dma_wait3A_283] : memref<50176x96xf32, #tpu.memory_space<hbm>> -> memref<112x96xf32, #tpu.memory_space<hbm>>
      tpu.wait_dma2 semaphore(%run_scoped3A : memref<!tpu.dma_semaphore, #tpu.memory_space<semaphore_mem>>) src(%arg9 : memref<112x96xf32, #tpu.memory_space<vmem>>) dst(%dma_wait3A_284 : memref<112x96xf32, #tpu.memory_space<hbm>>)
      tpu.yield
    }) : () -> ()
    %dma_start3A_176 = arith.constant 9 : i32
    %dma_start3A_177 = arith.constant 0 : i32
    %dma_start3A_178 = tpu.memref_slice %arg5[%dma_start3A_176, %dma_start3A_177] : memref<14x112xi32, #tpu.memory_space<vmem>> -> memref<1x112xi32, #tpu.memory_space<vmem>>
    %dma_start3A_179 = tpu.memref_squeeze %dma_start3A_178 : memref<1x112xi32, #tpu.memory_space<vmem>> -> memref<112xi32, #tpu.memory_space<vmem>>
    %dma_start3A_180 = arith.constant 0 : i32
    %dma_start3A_181 = arith.constant 0 : i32
    %dma_start3A_182 = tpu.memref_slice %arg2[%dma_start3A_180, %dma_start3A_181] : memref<401408x96xf32, #tpu.memory_space<hbm>> -> memref<401408x96xf32, #tpu.memory_space<hbm>>
    tpu.enqueue_indirect_dma source(%dma_start3A_182 : memref<401408x96xf32, #tpu.memory_space<hbm>>) target(%arg9 : memref<112x96xf32, #tpu.memory_space<vmem>>) offsets(%dma_start3A_179 : memref<112xi32, #tpu.memory_space<vmem>>) semaphore(%arg11 : memref<!tpu.dma_semaphore, #tpu.memory_space<semaphore_mem>>)
    %dma_wait3A_183 = arith.constant 8 : i32
    %dma_wait3A_184 = arith.constant 0 : i32
    %dma_wait3A_185 = tpu.memref_slice %arg5[%dma_wait3A_183, %dma_wait3A_184] : memref<14x112xi32, #tpu.memory_space<vmem>> -> memref<1x112xi32, #tpu.memory_space<vmem>>
    %dma_wait3A_186 = tpu.memref_squeeze %dma_wait3A_185 : memref<1x112xi32, #tpu.memory_space<vmem>> -> memref<112xi32, #tpu.memory_space<vmem>>
    %dma_wait3A_187 = arith.constant 0 : i32
    %dma_wait3A_188 = arith.constant 0 : i32
    %dma_wait3A_189 = tpu.memref_slice %arg2[%dma_wait3A_187, %dma_wait3A_188] : memref<401408x96xf32, #tpu.memory_space<hbm>> -> memref<401408x96xf32, #tpu.memory_space<hbm>>
    tpu.wait_indirect_dma semaphore(%arg10 : memref<!tpu.dma_semaphore, #tpu.memory_space<semaphore_mem>>) src(%dma_wait3A_189 : memref<401408x96xf32, #tpu.memory_space<hbm>>) dst(%arg8 : memref<112x96xf32, #tpu.memory_space<vmem>>)
    %mul3A_190 = arith.constant 784 : i32
    %mul3A_191 = arith.muli %mul3A_2, %mul3A_190 : i32
    %add3A_192 = arith.constant 896 : i32
    %add3A_193 = arith.addi %mul3A_191, %add3A_192 : i32
    "tpu.region"() ({
      %run_scoped3A = tpu.sem_alloc : memref<!tpu.dma_semaphore, #tpu.memory_space<semaphore_mem>>
      %dma_start3A_277 = arith.constant 0 : i32
      %dma_start3A_278 = tpu.memref_slice %arg4[%add3A_193, %dma_start3A_277] : memref<50176x96xf32, #tpu.memory_space<hbm>> -> memref<112x96xf32, #tpu.memory_space<hbm>>
      %dma_start3A_279 = arith.constant 0 : i32
      %dma_start3A_280 = tpu.memref_slice %arg4[%add3A_193, %dma_start3A_279] : memref<50176x96xf32, #tpu.memory_space<hbm>> -> memref<112x96xf32, #tpu.memory_space<hbm>>
      tpu.enqueue_dma source(%arg8 : memref<112x96xf32, #tpu.memory_space<vmem>>) target(%dma_start3A_280 : memref<112x96xf32, #tpu.memory_space<hbm>>) target_semaphore(%run_scoped3A : memref<!tpu.dma_semaphore, #tpu.memory_space<semaphore_mem>>)
      %dma_wait3A_281 = arith.constant 0 : i32
      %dma_wait3A_282 = tpu.memref_slice %arg4[%add3A_193, %dma_wait3A_281] : memref<50176x96xf32, #tpu.memory_space<hbm>> -> memref<112x96xf32, #tpu.memory_space<hbm>>
      %dma_wait3A_283 = arith.constant 0 : i32
      %dma_wait3A_284 = tpu.memref_slice %arg4[%add3A_193, %dma_wait3A_283] : memref<50176x96xf32, #tpu.memory_space<hbm>> -> memref<112x96xf32, #tpu.memory_space<hbm>>
      tpu.wait_dma2 semaphore(%run_scoped3A : memref<!tpu.dma_semaphore, #tpu.memory_space<semaphore_mem>>) src(%arg8 : memref<112x96xf32, #tpu.memory_space<vmem>>) dst(%dma_wait3A_284 : memref<112x96xf32, #tpu.memory_space<hbm>>)
      tpu.yield
    }) : () -> ()
    %dma_start3A_194 = arith.constant 10 : i32
    %dma_start3A_195 = arith.constant 0 : i32
    %dma_start3A_196 = tpu.memref_slice %arg5[%dma_start3A_194, %dma_start3A_195] : memref<14x112xi32, #tpu.memory_space<vmem>> -> memref<1x112xi32, #tpu.memory_space<vmem>>
    %dma_start3A_197 = tpu.memref_squeeze %dma_start3A_196 : memref<1x112xi32, #tpu.memory_space<vmem>> -> memref<112xi32, #tpu.memory_space<vmem>>
    %dma_start3A_198 = arith.constant 0 : i32
    %dma_start3A_199 = arith.constant 0 : i32
    %dma_start3A_200 = tpu.memref_slice %arg2[%dma_start3A_198, %dma_start3A_199] : memref<401408x96xf32, #tpu.memory_space<hbm>> -> memref<401408x96xf32, #tpu.memory_space<hbm>>
    tpu.enqueue_indirect_dma source(%dma_start3A_200 : memref<401408x96xf32, #tpu.memory_space<hbm>>) target(%arg8 : memref<112x96xf32, #tpu.memory_space<vmem>>) offsets(%dma_start3A_197 : memref<112xi32, #tpu.memory_space<vmem>>) semaphore(%arg10 : memref<!tpu.dma_semaphore, #tpu.memory_space<semaphore_mem>>)
    %dma_wait3A_201 = arith.constant 9 : i32
    %dma_wait3A_202 = arith.constant 0 : i32
    %dma_wait3A_203 = tpu.memref_slice %arg5[%dma_wait3A_201, %dma_wait3A_202] : memref<14x112xi32, #tpu.memory_space<vmem>> -> memref<1x112xi32, #tpu.memory_space<vmem>>
    %dma_wait3A_204 = tpu.memref_squeeze %dma_wait3A_203 : memref<1x112xi32, #tpu.memory_space<vmem>> -> memref<112xi32, #tpu.memory_space<vmem>>
    %dma_wait3A_205 = arith.constant 0 : i32
    %dma_wait3A_206 = arith.constant 0 : i32
    %dma_wait3A_207 = tpu.memref_slice %arg2[%dma_wait3A_205, %dma_wait3A_206] : memref<401408x96xf32, #tpu.memory_space<hbm>> -> memref<401408x96xf32, #tpu.memory_space<hbm>>
    tpu.wait_indirect_dma semaphore(%arg11 : memref<!tpu.dma_semaphore, #tpu.memory_space<semaphore_mem>>) src(%dma_wait3A_207 : memref<401408x96xf32, #tpu.memory_space<hbm>>) dst(%arg9 : memref<112x96xf32, #tpu.memory_space<vmem>>)
    %mul3A_208 = arith.constant 784 : i32
    %mul3A_209 = arith.muli %mul3A_2, %mul3A_208 : i32
    %add3A_210 = arith.constant 1008 : i32
    %add3A_211 = arith.addi %mul3A_209, %add3A_210 : i32
    "tpu.region"() ({
      %run_scoped3A = tpu.sem_alloc : memref<!tpu.dma_semaphore, #tpu.memory_space<semaphore_mem>>
      %dma_start3A_277 = arith.constant 0 : i32
      %dma_start3A_278 = tpu.memref_slice %arg4[%add3A_211, %dma_start3A_277] : memref<50176x96xf32, #tpu.memory_space<hbm>> -> memref<112x96xf32, #tpu.memory_space<hbm>>
      %dma_start3A_279 = arith.constant 0 : i32
      %dma_start3A_280 = tpu.memref_slice %arg4[%add3A_211, %dma_start3A_279] : memref<50176x96xf32, #tpu.memory_space<hbm>> -> memref<112x96xf32, #tpu.memory_space<hbm>>
      tpu.enqueue_dma source(%arg9 : memref<112x96xf32, #tpu.memory_space<vmem>>) target(%dma_start3A_280 : memref<112x96xf32, #tpu.memory_space<hbm>>) target_semaphore(%run_scoped3A : memref<!tpu.dma_semaphore, #tpu.memory_space<semaphore_mem>>)
      %dma_wait3A_281 = arith.constant 0 : i32
      %dma_wait3A_282 = tpu.memref_slice %arg4[%add3A_211, %dma_wait3A_281] : memref<50176x96xf32, #tpu.memory_space<hbm>> -> memref<112x96xf32, #tpu.memory_space<hbm>>
      %dma_wait3A_283 = arith.constant 0 : i32
      %dma_wait3A_284 = tpu.memref_slice %arg4[%add3A_211, %dma_wait3A_283] : memref<50176x96xf32, #tpu.memory_space<hbm>> -> memref<112x96xf32, #tpu.memory_space<hbm>>
      tpu.wait_dma2 semaphore(%run_scoped3A : memref<!tpu.dma_semaphore, #tpu.memory_space<semaphore_mem>>) src(%arg9 : memref<112x96xf32, #tpu.memory_space<vmem>>) dst(%dma_wait3A_284 : memref<112x96xf32, #tpu.memory_space<hbm>>)
      tpu.yield
    }) : () -> ()
    %dma_start3A_212 = arith.constant 11 : i32
    %dma_start3A_213 = arith.constant 0 : i32
    %dma_start3A_214 = tpu.memref_slice %arg5[%dma_start3A_212, %dma_start3A_213] : memref<14x112xi32, #tpu.memory_space<vmem>> -> memref<1x112xi32, #tpu.memory_space<vmem>>
    %dma_start3A_215 = tpu.memref_squeeze %dma_start3A_214 : memref<1x112xi32, #tpu.memory_space<vmem>> -> memref<112xi32, #tpu.memory_space<vmem>>
    %dma_start3A_216 = arith.constant 0 : i32
    %dma_start3A_217 = arith.constant 0 : i32
    %dma_start3A_218 = tpu.memref_slice %arg2[%dma_start3A_216, %dma_start3A_217] : memref<401408x96xf32, #tpu.memory_space<hbm>> -> memref<401408x96xf32, #tpu.memory_space<hbm>>
    tpu.enqueue_indirect_dma source(%dma_start3A_218 : memref<401408x96xf32, #tpu.memory_space<hbm>>) target(%arg9 : memref<112x96xf32, #tpu.memory_space<vmem>>) offsets(%dma_start3A_215 : memref<112xi32, #tpu.memory_space<vmem>>) semaphore(%arg11 : memref<!tpu.dma_semaphore, #tpu.memory_space<semaphore_mem>>)
    %dma_wait3A_219 = arith.constant 10 : i32
    %dma_wait3A_220 = arith.constant 0 : i32
    %dma_wait3A_221 = tpu.memref_slice %arg5[%dma_wait3A_219, %dma_wait3A_220] : memref<14x112xi32, #tpu.memory_space<vmem>> -> memref<1x112xi32, #tpu.memory_space<vmem>>
    %dma_wait3A_222 = tpu.memref_squeeze %dma_wait3A_221 : memref<1x112xi32, #tpu.memory_space<vmem>> -> memref<112xi32, #tpu.memory_space<vmem>>
    %dma_wait3A_223 = arith.constant 0 : i32
    %dma_wait3A_224 = arith.constant 0 : i32
    %dma_wait3A_225 = tpu.memref_slice %arg2[%dma_wait3A_223, %dma_wait3A_224] : memref<401408x96xf32, #tpu.memory_space<hbm>> -> memref<401408x96xf32, #tpu.memory_space<hbm>>
    tpu.wait_indirect_dma semaphore(%arg10 : memref<!tpu.dma_semaphore, #tpu.memory_space<semaphore_mem>>) src(%dma_wait3A_225 : memref<401408x96xf32, #tpu.memory_space<hbm>>) dst(%arg8 : memref<112x96xf32, #tpu.memory_space<vmem>>)
    %mul3A_226 = arith.constant 784 : i32
    %mul3A_227 = arith.muli %mul3A_2, %mul3A_226 : i32
    %add3A_228 = arith.constant 1120 : i32
    %add3A_229 = arith.addi %mul3A_227, %add3A_228 : i32
    "tpu.region"() ({
      %run_scoped3A = tpu.sem_alloc : memref<!tpu.dma_semaphore, #tpu.memory_space<semaphore_mem>>
      %dma_start3A_277 = arith.constant 0 : i32
      %dma_start3A_278 = tpu.memref_slice %arg4[%add3A_229, %dma_start3A_277] : memref<50176x96xf32, #tpu.memory_space<hbm>> -> memref<112x96xf32, #tpu.memory_space<hbm>>
      %dma_start3A_279 = arith.constant 0 : i32
      %dma_start3A_280 = tpu.memref_slice %arg4[%add3A_229, %dma_start3A_279] : memref<50176x96xf32, #tpu.memory_space<hbm>> -> memref<112x96xf32, #tpu.memory_space<hbm>>
      tpu.enqueue_dma source(%arg8 : memref<112x96xf32, #tpu.memory_space<vmem>>) target(%dma_start3A_280 : memref<112x96xf32, #tpu.memory_space<hbm>>) target_semaphore(%run_scoped3A : memref<!tpu.dma_semaphore, #tpu.memory_space<semaphore_mem>>)
      %dma_wait3A_281 = arith.constant 0 : i32
      %dma_wait3A_282 = tpu.memref_slice %arg4[%add3A_229, %dma_wait3A_281] : memref<50176x96xf32, #tpu.memory_space<hbm>> -> memref<112x96xf32, #tpu.memory_space<hbm>>
      %dma_wait3A_283 = arith.constant 0 : i32
      %dma_wait3A_284 = tpu.memref_slice %arg4[%add3A_229, %dma_wait3A_283] : memref<50176x96xf32, #tpu.memory_space<hbm>> -> memref<112x96xf32, #tpu.memory_space<hbm>>
      tpu.wait_dma2 semaphore(%run_scoped3A : memref<!tpu.dma_semaphore, #tpu.memory_space<semaphore_mem>>) src(%arg8 : memref<112x96xf32, #tpu.memory_space<vmem>>) dst(%dma_wait3A_284 : memref<112x96xf32, #tpu.memory_space<hbm>>)
      tpu.yield
    }) : () -> ()
    %dma_start3A_230 = arith.constant 12 : i32
    %dma_start3A_231 = arith.constant 0 : i32
    %dma_start3A_232 = tpu.memref_slice %arg5[%dma_start3A_230, %dma_start3A_231] : memref<14x112xi32, #tpu.memory_space<vmem>> -> memref<1x112xi32, #tpu.memory_space<vmem>>
    %dma_start3A_233 = tpu.memref_squeeze %dma_start3A_232 : memref<1x112xi32, #tpu.memory_space<vmem>> -> memref<112xi32, #tpu.memory_space<vmem>>
    %dma_start3A_234 = arith.constant 0 : i32
    %dma_start3A_235 = arith.constant 0 : i32
    %dma_start3A_236 = tpu.memref_slice %arg2[%dma_start3A_234, %dma_start3A_235] : memref<401408x96xf32, #tpu.memory_space<hbm>> -> memref<401408x96xf32, #tpu.memory_space<hbm>>
    tpu.enqueue_indirect_dma source(%dma_start3A_236 : memref<401408x96xf32, #tpu.memory_space<hbm>>) target(%arg8 : memref<112x96xf32, #tpu.memory_space<vmem>>) offsets(%dma_start3A_233 : memref<112xi32, #tpu.memory_space<vmem>>) semaphore(%arg10 : memref<!tpu.dma_semaphore, #tpu.memory_space<semaphore_mem>>)
    %dma_wait3A_237 = arith.constant 11 : i32
    %dma_wait3A_238 = arith.constant 0 : i32
    %dma_wait3A_239 = tpu.memref_slice %arg5[%dma_wait3A_237, %dma_wait3A_238] : memref<14x112xi32, #tpu.memory_space<vmem>> -> memref<1x112xi32, #tpu.memory_space<vmem>>
    %dma_wait3A_240 = tpu.memref_squeeze %dma_wait3A_239 : memref<1x112xi32, #tpu.memory_space<vmem>> -> memref<112xi32, #tpu.memory_space<vmem>>
    %dma_wait3A_241 = arith.constant 0 : i32
    %dma_wait3A_242 = arith.constant 0 : i32
    %dma_wait3A_243 = tpu.memref_slice %arg2[%dma_wait3A_241, %dma_wait3A_242] : memref<401408x96xf32, #tpu.memory_space<hbm>> -> memref<401408x96xf32, #tpu.memory_space<hbm>>
    tpu.wait_indirect_dma semaphore(%arg11 : memref<!tpu.dma_semaphore, #tpu.memory_space<semaphore_mem>>) src(%dma_wait3A_243 : memref<401408x96xf32, #tpu.memory_space<hbm>>) dst(%arg9 : memref<112x96xf32, #tpu.memory_space<vmem>>)
    %mul3A_244 = arith.constant 784 : i32
    %mul3A_245 = arith.muli %mul3A_2, %mul3A_244 : i32
    %add3A_246 = arith.constant 1232 : i32
    %add3A_247 = arith.addi %mul3A_245, %add3A_246 : i32
    "tpu.region"() ({
      %run_scoped3A = tpu.sem_alloc : memref<!tpu.dma_semaphore, #tpu.memory_space<semaphore_mem>>
      %dma_start3A_277 = arith.constant 0 : i32
      %dma_start3A_278 = tpu.memref_slice %arg4[%add3A_247, %dma_start3A_277] : memref<50176x96xf32, #tpu.memory_space<hbm>> -> memref<112x96xf32, #tpu.memory_space<hbm>>
      %dma_start3A_279 = arith.constant 0 : i32
      %dma_start3A_280 = tpu.memref_slice %arg4[%add3A_247, %dma_start3A_279] : memref<50176x96xf32, #tpu.memory_space<hbm>> -> memref<112x96xf32, #tpu.memory_space<hbm>>
      tpu.enqueue_dma source(%arg9 : memref<112x96xf32, #tpu.memory_space<vmem>>) target(%dma_start3A_280 : memref<112x96xf32, #tpu.memory_space<hbm>>) target_semaphore(%run_scoped3A : memref<!tpu.dma_semaphore, #tpu.memory_space<semaphore_mem>>)
      %dma_wait3A_281 = arith.constant 0 : i32
      %dma_wait3A_282 = tpu.memref_slice %arg4[%add3A_247, %dma_wait3A_281] : memref<50176x96xf32, #tpu.memory_space<hbm>> -> memref<112x96xf32, #tpu.memory_space<hbm>>
      %dma_wait3A_283 = arith.constant 0 : i32
      %dma_wait3A_284 = tpu.memref_slice %arg4[%add3A_247, %dma_wait3A_283] : memref<50176x96xf32, #tpu.memory_space<hbm>> -> memref<112x96xf32, #tpu.memory_space<hbm>>
      tpu.wait_dma2 semaphore(%run_scoped3A : memref<!tpu.dma_semaphore, #tpu.memory_space<semaphore_mem>>) src(%arg9 : memref<112x96xf32, #tpu.memory_space<vmem>>) dst(%dma_wait3A_284 : memref<112x96xf32, #tpu.memory_space<hbm>>)
      tpu.yield
    }) : () -> ()
    %dma_start3A_248 = arith.constant 13 : i32
    %dma_start3A_249 = arith.constant 0 : i32
    %dma_start3A_250 = tpu.memref_slice %arg5[%dma_start3A_248, %dma_start3A_249] : memref<14x112xi32, #tpu.memory_space<vmem>> -> memref<1x112xi32, #tpu.memory_space<vmem>>
    %dma_start3A_251 = tpu.memref_squeeze %dma_start3A_250 : memref<1x112xi32, #tpu.memory_space<vmem>> -> memref<112xi32, #tpu.memory_space<vmem>>
    %dma_start3A_252 = arith.constant 0 : i32
    %dma_start3A_253 = arith.constant 0 : i32
    %dma_start3A_254 = tpu.memref_slice %arg2[%dma_start3A_252, %dma_start3A_253] : memref<401408x96xf32, #tpu.memory_space<hbm>> -> memref<401408x96xf32, #tpu.memory_space<hbm>>
    tpu.enqueue_indirect_dma source(%dma_start3A_254 : memref<401408x96xf32, #tpu.memory_space<hbm>>) target(%arg9 : memref<112x96xf32, #tpu.memory_space<vmem>>) offsets(%dma_start3A_251 : memref<112xi32, #tpu.memory_space<vmem>>) semaphore(%arg11 : memref<!tpu.dma_semaphore, #tpu.memory_space<semaphore_mem>>)
    %dma_wait3A_255 = arith.constant 12 : i32
    %dma_wait3A_256 = arith.constant 0 : i32
    %dma_wait3A_257 = tpu.memref_slice %arg5[%dma_wait3A_255, %dma_wait3A_256] : memref<14x112xi32, #tpu.memory_space<vmem>> -> memref<1x112xi32, #tpu.memory_space<vmem>>
    %dma_wait3A_258 = tpu.memref_squeeze %dma_wait3A_257 : memref<1x112xi32, #tpu.memory_space<vmem>> -> memref<112xi32, #tpu.memory_space<vmem>>
    %dma_wait3A_259 = arith.constant 0 : i32
    %dma_wait3A_260 = arith.constant 0 : i32
    %dma_wait3A_261 = tpu.memref_slice %arg2[%dma_wait3A_259, %dma_wait3A_260] : memref<401408x96xf32, #tpu.memory_space<hbm>> -> memref<401408x96xf32, #tpu.memory_space<hbm>>
    tpu.wait_indirect_dma semaphore(%arg10 : memref<!tpu.dma_semaphore, #tpu.memory_space<semaphore_mem>>) src(%dma_wait3A_261 : memref<401408x96xf32, #tpu.memory_space<hbm>>) dst(%arg8 : memref<112x96xf32, #tpu.memory_space<vmem>>)
    %mul3A_262 = arith.constant 784 : i32
    %mul3A_263 = arith.muli %mul3A_2, %mul3A_262 : i32
    %add3A_264 = arith.constant 1344 : i32
    %add3A_265 = arith.addi %mul3A_263, %add3A_264 : i32
    "tpu.region"() ({
      %run_scoped3A = tpu.sem_alloc : memref<!tpu.dma_semaphore, #tpu.memory_space<semaphore_mem>>
      %dma_start3A_277 = arith.constant 0 : i32
      %dma_start3A_278 = tpu.memref_slice %arg4[%add3A_265, %dma_start3A_277] : memref<50176x96xf32, #tpu.memory_space<hbm>> -> memref<112x96xf32, #tpu.memory_space<hbm>>
      %dma_start3A_279 = arith.constant 0 : i32
      %dma_start3A_280 = tpu.memref_slice %arg4[%add3A_265, %dma_start3A_279] : memref<50176x96xf32, #tpu.memory_space<hbm>> -> memref<112x96xf32, #tpu.memory_space<hbm>>
      tpu.enqueue_dma source(%arg8 : memref<112x96xf32, #tpu.memory_space<vmem>>) target(%dma_start3A_280 : memref<112x96xf32, #tpu.memory_space<hbm>>) target_semaphore(%run_scoped3A : memref<!tpu.dma_semaphore, #tpu.memory_space<semaphore_mem>>)
      %dma_wait3A_281 = arith.constant 0 : i32
      %dma_wait3A_282 = tpu.memref_slice %arg4[%add3A_265, %dma_wait3A_281] : memref<50176x96xf32, #tpu.memory_space<hbm>> -> memref<112x96xf32, #tpu.memory_space<hbm>>
      %dma_wait3A_283 = arith.constant 0 : i32
      %dma_wait3A_284 = tpu.memref_slice %arg4[%add3A_265, %dma_wait3A_283] : memref<50176x96xf32, #tpu.memory_space<hbm>> -> memref<112x96xf32, #tpu.memory_space<hbm>>
      tpu.wait_dma2 semaphore(%run_scoped3A : memref<!tpu.dma_semaphore, #tpu.memory_space<semaphore_mem>>) src(%arg8 : memref<112x96xf32, #tpu.memory_space<vmem>>) dst(%dma_wait3A_284 : memref<112x96xf32, #tpu.memory_space<hbm>>)
      tpu.yield
    }) : () -> ()
    %dma_wait3A_266 = arith.constant 13 : i32
    %dma_wait3A_267 = arith.constant 0 : i32
    %dma_wait3A_268 = tpu.memref_slice %arg5[%dma_wait3A_266, %dma_wait3A_267] : memref<14x112xi32, #tpu.memory_space<vmem>> -> memref<1x112xi32, #tpu.memory_space<vmem>>
    %dma_wait3A_269 = tpu.memref_squeeze %dma_wait3A_268 : memref<1x112xi32, #tpu.memory_space<vmem>> -> memref<112xi32, #tpu.memory_space<vmem>>
    %dma_wait3A_270 = arith.constant 0 : i32
    %dma_wait3A_271 = arith.constant 0 : i32
    %dma_wait3A_272 = tpu.memref_slice %arg2[%dma_wait3A_270, %dma_wait3A_271] : memref<401408x96xf32, #tpu.memory_space<hbm>> -> memref<401408x96xf32, #tpu.memory_space<hbm>>
    tpu.wait_indirect_dma semaphore(%arg11 : memref<!tpu.dma_semaphore, #tpu.memory_space<semaphore_mem>>) src(%dma_wait3A_272 : memref<401408x96xf32, #tpu.memory_space<hbm>>) dst(%arg9 : memref<112x96xf32, #tpu.memory_space<vmem>>)
    %mul3A_273 = arith.constant 784 : i32
    %mul3A_274 = arith.muli %mul3A_2, %mul3A_273 : i32
    %add3A_275 = arith.constant 1456 : i32
    %add3A_276 = arith.addi %mul3A_274, %add3A_275 : i32
    "tpu.region"() ({
      %run_scoped3A = tpu.sem_alloc : memref<!tpu.dma_semaphore, #tpu.memory_space<semaphore_mem>>
      %dma_start3A_277 = arith.constant 0 : i32
      %dma_start3A_278 = tpu.memref_slice %arg4[%add3A_276, %dma_start3A_277] : memref<50176x96xf32, #tpu.memory_space<hbm>> -> memref<112x96xf32, #tpu.memory_space<hbm>>
      %dma_start3A_279 = arith.constant 0 : i32
      %dma_start3A_280 = tpu.memref_slice %arg4[%add3A_276, %dma_start3A_279] : memref<50176x96xf32, #tpu.memory_space<hbm>> -> memref<112x96xf32, #tpu.memory_space<hbm>>
      tpu.enqueue_dma source(%arg9 : memref<112x96xf32, #tpu.memory_space<vmem>>) target(%dma_start3A_280 : memref<112x96xf32, #tpu.memory_space<hbm>>) target_semaphore(%run_scoped3A : memref<!tpu.dma_semaphore, #tpu.memory_space<semaphore_mem>>)
      %dma_wait3A_281 = arith.constant 0 : i32
      %dma_wait3A_282 = tpu.memref_slice %arg4[%add3A_276, %dma_wait3A_281] : memref<50176x96xf32, #tpu.memory_space<hbm>> -> memref<112x96xf32, #tpu.memory_space<hbm>>
      %dma_wait3A_283 = arith.constant 0 : i32
      %dma_wait3A_284 = tpu.memref_slice %arg4[%add3A_276, %dma_wait3A_283] : memref<50176x96xf32, #tpu.memory_space<hbm>> -> memref<112x96xf32, #tpu.memory_space<hbm>>
      tpu.wait_dma2 semaphore(%run_scoped3A : memref<!tpu.dma_semaphore, #tpu.memory_space<semaphore_mem>>) src(%arg9 : memref<112x96xf32, #tpu.memory_space<vmem>>) dst(%dma_wait3A_284 : memref<112x96xf32, #tpu.memory_space<hbm>>)
      tpu.yield
    }) : () -> ()
    return
  }
}

module attributes {stable_mosaic.version = 14 : i64} {
  func.func @_sums_body(%arg0: i32, %arg1: memref<4x28x28x768xf32, #tpu.memory_space<vmem>>, %arg2: memref<1x1x768xf32, #tpu.memory_space<vmem>>, %arg3: memref<1x1x768xf32, #tpu.memory_space<vmem>>, %arg4: memref<4x9x768xf32, #tpu.memory_space<vmem>>) attributes {dimension_semantics = [#tpu.dimension_semantics<arbitrary>], iteration_bounds = array<i64: 16>, scalar_prefetch = 0 : i64, scratch_operands = 0 : i64, tpu.core_type = #tpu.core_type<tc>, window_params = [{transform_indices = @transform_0, window_bounds = array<i64: 4, 28, 28, 768>}, {pipeline_mode = #tpu.pipeline_mode<synchronous>, transform_indices = @transform_1, window_bounds = array<i64: 1, 1, 768>}, {pipeline_mode = #tpu.pipeline_mode<synchronous>, transform_indices = @transform_2, window_bounds = array<i64: 1, 1, 768>}, {transform_indices = @transform_3, window_bounds = array<i64: 4, 9, 768>}]} {
    %get3A = arith.constant 0 : index
    %get3A_0 = arith.constant 0 : index
    %get3A_1 = arith.constant 0 : index
    %get3A_2 = arith.constant 0 : index
    %get3A_3 = vector.load %arg1[%get3A, %get3A_0, %get3A_1, %get3A_2] : memref<4x28x28x768xf32, #tpu.memory_space<vmem>>, vector<1x28x28x768xf32>
    %get3A_4 = vector.shape_cast %get3A_3 : vector<1x28x28x768xf32> to vector<28x28x768xf32>
    %get3A_5 = arith.constant 0 : index
    %get3A_6 = arith.constant 0 : index
    %get3A_7 = arith.constant 0 : index
    %get3A_8 = vector.load %arg2[%get3A_5, %get3A_6, %get3A_7] : memref<1x1x768xf32, #tpu.memory_space<vmem>>, vector<1x1x768xf32>
    %get3A_9 = vector.shape_cast %get3A_8 : vector<1x1x768xf32> to vector<1x768xf32>
    %broadcast_in_dim3A = vector.shape_cast %get3A_9 : vector<1x768xf32> to vector<1x1x768xf32>
    %mul3A = vector.broadcast %broadcast_in_dim3A : vector<1x1x768xf32> to vector<28x28x768xf32>
    %mul3A_10 = arith.mulf %get3A_4, %mul3A : vector<28x28x768xf32>
    %get3A_11 = arith.constant 0 : index
    %get3A_12 = arith.constant 0 : index
    %get3A_13 = arith.constant 0 : index
    %get3A_14 = vector.load %arg3[%get3A_11, %get3A_12, %get3A_13] : memref<1x1x768xf32, #tpu.memory_space<vmem>>, vector<1x1x768xf32>
    %get3A_15 = vector.shape_cast %get3A_14 : vector<1x1x768xf32> to vector<1x768xf32>
    %broadcast_in_dim3A_16 = vector.shape_cast %get3A_15 : vector<1x768xf32> to vector<1x1x768xf32>
    %add3A = vector.broadcast %broadcast_in_dim3A_16 : vector<1x1x768xf32> to vector<28x28x768xf32>
    %add3A_17 = arith.addf %mul3A_10, %add3A : vector<28x28x768xf32>
    %convert_element_type3A = arith.truncf %add3A_17 : vector<28x28x768xf32> to vector<28x28x768xbf16>
    %convert_element_type3A_18 = arith.extf %convert_element_type3A : vector<28x28x768xbf16> to vector<28x28x768xf32>
    %reshape3A = vector.shape_cast %convert_element_type3A_18 : vector<28x28x768xf32> to vector<14x2x28x768xf32>
    %reduce_sum3A = arith.constant dense<0.000000e+00> : vector<2x28x768xf32>
    %reduce_sum3A_19 = vector.multi_reduction <add>, %reshape3A, %reduce_sum3A [0] : vector<14x2x28x768xf32> to vector<2x28x768xf32>
    %reshape3A_20 = vector.shape_cast %reduce_sum3A_19 : vector<2x28x768xf32> to vector<2x14x2x768xf32>
    %reduce_sum3A_21 = arith.constant dense<0.000000e+00> : vector<2x2x768xf32>
    %reduce_sum3A_22 = vector.multi_reduction <add>, %reshape3A_20, %reduce_sum3A_21 [1] : vector<2x14x2x768xf32> to vector<2x2x768xf32>
    %slice3A = vector.extract_strided_slice %reduce_sum3A_19 {offsets = [0, 0, 0], sizes = [2, 1, 768], strides = [1, 1, 1]} : vector<2x28x768xf32> to vector<2x1x768xf32>
    %squeeze3A = vector.shape_cast %slice3A : vector<2x1x768xf32> to vector<2x768xf32>
    %slice3A_23 = vector.extract_strided_slice %convert_element_type3A_18 {offsets = [0, 0, 0], sizes = [1, 28, 768], strides = [1, 1, 1]} : vector<28x28x768xf32> to vector<1x28x768xf32>
    %squeeze3A_24 = vector.shape_cast %slice3A_23 : vector<1x28x768xf32> to vector<28x768xf32>
    %reshape3A_25 = vector.shape_cast %squeeze3A_24 : vector<28x768xf32> to vector<14x2x768xf32>
    %reduce_sum3A_26 = arith.constant dense<0.000000e+00> : vector<2x768xf32>
    %reduce_sum3A_27 = vector.multi_reduction <add>, %reshape3A_25, %reduce_sum3A_26 [0] : vector<14x2x768xf32> to vector<2x768xf32>
    %slice3A_28 = vector.extract_strided_slice %convert_element_type3A_18 {offsets = [0, 0, 0], sizes = [1, 1, 768], strides = [1, 1, 1]} : vector<28x28x768xf32> to vector<1x1x768xf32>
    %squeeze3A_29 = vector.shape_cast %slice3A_28 : vector<1x1x768xf32> to vector<768xf32>
    %slice3A_30 = vector.extract_strided_slice %reduce_sum3A_22 {offsets = [0, 0, 0], sizes = [1, 1, 768], strides = [1, 1, 1]} : vector<2x2x768xf32> to vector<1x1x768xf32>
    %squeeze3A_31 = vector.shape_cast %slice3A_30 : vector<1x1x768xf32> to vector<768xf32>
    %slice3A_32 = vector.extract_strided_slice %reduce_sum3A_22 {offsets = [0, 1, 0], sizes = [1, 1, 768], strides = [1, 1, 1]} : vector<2x2x768xf32> to vector<1x1x768xf32>
    %squeeze3A_33 = vector.shape_cast %slice3A_32 : vector<1x1x768xf32> to vector<768xf32>
    %slice3A_34 = vector.extract_strided_slice %reduce_sum3A_22 {offsets = [1, 0, 0], sizes = [1, 1, 768], strides = [1, 1, 1]} : vector<2x2x768xf32> to vector<1x1x768xf32>
    %squeeze3A_35 = vector.shape_cast %slice3A_34 : vector<1x1x768xf32> to vector<768xf32>
    %slice3A_36 = vector.extract_strided_slice %reduce_sum3A_22 {offsets = [1, 1, 0], sizes = [1, 1, 768], strides = [1, 1, 1]} : vector<2x2x768xf32> to vector<1x1x768xf32>
    %squeeze3A_37 = vector.shape_cast %slice3A_36 : vector<1x1x768xf32> to vector<768xf32>
    %slice3A_38 = vector.extract_strided_slice %squeeze3A {offsets = [0, 0], sizes = [1, 768], strides = [1, 1]} : vector<2x768xf32> to vector<1x768xf32>
    %squeeze3A_39 = vector.shape_cast %slice3A_38 : vector<1x768xf32> to vector<768xf32>
    %sub3A = arith.subf %squeeze3A_31, %squeeze3A_39 : vector<768xf32>
    %slice3A_40 = vector.extract_strided_slice %squeeze3A {offsets = [1, 0], sizes = [1, 768], strides = [1, 1]} : vector<2x768xf32> to vector<1x768xf32>
    %squeeze3A_41 = vector.shape_cast %slice3A_40 : vector<1x768xf32> to vector<768xf32>
    %sub3A_42 = arith.subf %squeeze3A_35, %squeeze3A_41 : vector<768xf32>
    %slice3A_43 = vector.extract_strided_slice %reduce_sum3A_27 {offsets = [0, 0], sizes = [1, 768], strides = [1, 1]} : vector<2x768xf32> to vector<1x768xf32>
    %squeeze3A_44 = vector.shape_cast %slice3A_43 : vector<1x768xf32> to vector<768xf32>
    %sub3A_45 = arith.subf %squeeze3A_31, %squeeze3A_44 : vector<768xf32>
    %slice3A_46 = vector.extract_strided_slice %reduce_sum3A_27 {offsets = [1, 0], sizes = [1, 768], strides = [1, 1]} : vector<2x768xf32> to vector<1x768xf32>
    %squeeze3A_47 = vector.shape_cast %slice3A_46 : vector<1x768xf32> to vector<768xf32>
    %sub3A_48 = arith.subf %squeeze3A_33, %squeeze3A_47 : vector<768xf32>
    %slice3A_49 = vector.extract_strided_slice %squeeze3A {offsets = [0, 0], sizes = [1, 768], strides = [1, 1]} : vector<2x768xf32> to vector<1x768xf32>
    %squeeze3A_50 = vector.shape_cast %slice3A_49 : vector<1x768xf32> to vector<768xf32>
    %sub3A_51 = arith.subf %squeeze3A_31, %squeeze3A_50 : vector<768xf32>
    %slice3A_52 = vector.extract_strided_slice %reduce_sum3A_27 {offsets = [0, 0], sizes = [1, 768], strides = [1, 1]} : vector<2x768xf32> to vector<1x768xf32>
    %squeeze3A_53 = vector.shape_cast %slice3A_52 : vector<1x768xf32> to vector<768xf32>
    %sub3A_54 = arith.subf %sub3A_51, %squeeze3A_53 : vector<768xf32>
    %add3A_55 = arith.addf %sub3A_54, %squeeze3A_29 : vector<768xf32>
    %stack3A = vector.shape_cast %squeeze3A_31 : vector<768xf32> to vector<1x768xf32>
    %stack3A_56 = vector.shape_cast %squeeze3A_33 : vector<768xf32> to vector<1x768xf32>
    %stack3A_57 = vector.shape_cast %sub3A : vector<768xf32> to vector<1x768xf32>
    %stack3A_58 = vector.shape_cast %squeeze3A_35 : vector<768xf32> to vector<1x768xf32>
    %stack3A_59 = vector.shape_cast %squeeze3A_37 : vector<768xf32> to vector<1x768xf32>
    %stack3A_60 = vector.shape_cast %sub3A_42 : vector<768xf32> to vector<1x768xf32>
    %stack3A_61 = vector.shape_cast %sub3A_45 : vector<768xf32> to vector<1x768xf32>
    %stack3A_62 = vector.shape_cast %sub3A_48 : vector<768xf32> to vector<1x768xf32>
    %stack3A_63 = vector.shape_cast %add3A_55 : vector<768xf32> to vector<1x768xf32>
    %stack3A_64 = tpu.concatenate %stack3A, %stack3A_56, %stack3A_57, %stack3A_58, %stack3A_59, %stack3A_60, %stack3A_61, %stack3A_62, %stack3A_63 in 0 : vector<1x768xf32>, vector<1x768xf32>, vector<1x768xf32>, vector<1x768xf32>, vector<1x768xf32>, vector<1x768xf32>, vector<1x768xf32>, vector<1x768xf32>, vector<1x768xf32> -> vector<9x768xf32>
    %swap3A = arith.constant 0 : index
    %swap3A_65 = arith.constant 0 : index
    %swap3A_66 = arith.constant 0 : index
    %swap3A_67 = vector.load %arg4[%swap3A, %swap3A_65, %swap3A_66] : memref<4x9x768xf32, #tpu.memory_space<vmem>>, vector<1x9x768xf32>
    %swap3A_68 = vector.shape_cast %swap3A_67 : vector<1x9x768xf32> to vector<9x768xf32>
    %swap3A_69 = vector.shape_cast %stack3A_64 : vector<9x768xf32> to vector<1x9x768xf32>
    tpu.vector_store %arg4[%swap3A, %swap3A_65, %swap3A_66], %swap3A_69 {strides = array<i32>} : memref<4x9x768xf32, #tpu.memory_space<vmem>>, vector<1x9x768xf32>,
    %get3A_70 = arith.constant 1 : index
    %get3A_71 = arith.constant 0 : index
    %get3A_72 = arith.constant 0 : index
    %get3A_73 = arith.constant 0 : index
    %get3A_74 = vector.load %arg1[%get3A_70, %get3A_71, %get3A_72, %get3A_73] : memref<4x28x28x768xf32, #tpu.memory_space<vmem>>, vector<1x28x28x768xf32>
    %get3A_75 = vector.shape_cast %get3A_74 : vector<1x28x28x768xf32> to vector<28x28x768xf32>
    %get3A_76 = arith.constant 0 : index
    %get3A_77 = arith.constant 0 : index
    %get3A_78 = arith.constant 0 : index
    %get3A_79 = vector.load %arg2[%get3A_76, %get3A_77, %get3A_78] : memref<1x1x768xf32, #tpu.memory_space<vmem>>, vector<1x1x768xf32>
    %get3A_80 = vector.shape_cast %get3A_79 : vector<1x1x768xf32> to vector<1x768xf32>
    %broadcast_in_dim3A_81 = vector.shape_cast %get3A_80 : vector<1x768xf32> to vector<1x1x768xf32>
    %mul3A_82 = vector.broadcast %broadcast_in_dim3A_81 : vector<1x1x768xf32> to vector<28x28x768xf32>
    %mul3A_83 = arith.mulf %get3A_75, %mul3A_82 : vector<28x28x768xf32>
    %get3A_84 = arith.constant 0 : index
    %get3A_85 = arith.constant 0 : index
    %get3A_86 = arith.constant 0 : index
    %get3A_87 = vector.load %arg3[%get3A_84, %get3A_85, %get3A_86] : memref<1x1x768xf32, #tpu.memory_space<vmem>>, vector<1x1x768xf32>
    %get3A_88 = vector.shape_cast %get3A_87 : vector<1x1x768xf32> to vector<1x768xf32>
    %broadcast_in_dim3A_89 = vector.shape_cast %get3A_88 : vector<1x768xf32> to vector<1x1x768xf32>
    %add3A_90 = vector.broadcast %broadcast_in_dim3A_89 : vector<1x1x768xf32> to vector<28x28x768xf32>
    %add3A_91 = arith.addf %mul3A_83, %add3A_90 : vector<28x28x768xf32>
    %convert_element_type3A_92 = arith.truncf %add3A_91 : vector<28x28x768xf32> to vector<28x28x768xbf16>
    %convert_element_type3A_93 = arith.extf %convert_element_type3A_92 : vector<28x28x768xbf16> to vector<28x28x768xf32>
    %reshape3A_94 = vector.shape_cast %convert_element_type3A_93 : vector<28x28x768xf32> to vector<14x2x28x768xf32>
    %reduce_sum3A_95 = arith.constant dense<0.000000e+00> : vector<2x28x768xf32>
    %reduce_sum3A_96 = vector.multi_reduction <add>, %reshape3A_94, %reduce_sum3A_95 [0] : vector<14x2x28x768xf32> to vector<2x28x768xf32>
    %reshape3A_97 = vector.shape_cast %reduce_sum3A_96 : vector<2x28x768xf32> to vector<2x14x2x768xf32>
    %reduce_sum3A_98 = arith.constant dense<0.000000e+00> : vector<2x2x768xf32>
    %reduce_sum3A_99 = vector.multi_reduction <add>, %reshape3A_97, %reduce_sum3A_98 [1] : vector<2x14x2x768xf32> to vector<2x2x768xf32>
    %slice3A_100 = vector.extract_strided_slice %reduce_sum3A_96 {offsets = [0, 0, 0], sizes = [2, 1, 768], strides = [1, 1, 1]} : vector<2x28x768xf32> to vector<2x1x768xf32>
    %squeeze3A_101 = vector.shape_cast %slice3A_100 : vector<2x1x768xf32> to vector<2x768xf32>
    %slice3A_102 = vector.extract_strided_slice %convert_element_type3A_93 {offsets = [0, 0, 0], sizes = [1, 28, 768], strides = [1, 1, 1]} : vector<28x28x768xf32> to vector<1x28x768xf32>
    %squeeze3A_103 = vector.shape_cast %slice3A_102 : vector<1x28x768xf32> to vector<28x768xf32>
    %reshape3A_104 = vector.shape_cast %squeeze3A_103 : vector<28x768xf32> to vector<14x2x768xf32>
    %reduce_sum3A_105 = arith.constant dense<0.000000e+00> : vector<2x768xf32>
    %reduce_sum3A_106 = vector.multi_reduction <add>, %reshape3A_104, %reduce_sum3A_105 [0] : vector<14x2x768xf32> to vector<2x768xf32>
    %slice3A_107 = vector.extract_strided_slice %convert_element_type3A_93 {offsets = [0, 0, 0], sizes = [1, 1, 768], strides = [1, 1, 1]} : vector<28x28x768xf32> to vector<1x1x768xf32>
    %squeeze3A_108 = vector.shape_cast %slice3A_107 : vector<1x1x768xf32> to vector<768xf32>
    %slice3A_109 = vector.extract_strided_slice %reduce_sum3A_99 {offsets = [0, 0, 0], sizes = [1, 1, 768], strides = [1, 1, 1]} : vector<2x2x768xf32> to vector<1x1x768xf32>
    %squeeze3A_110 = vector.shape_cast %slice3A_109 : vector<1x1x768xf32> to vector<768xf32>
    %slice3A_111 = vector.extract_strided_slice %reduce_sum3A_99 {offsets = [0, 1, 0], sizes = [1, 1, 768], strides = [1, 1, 1]} : vector<2x2x768xf32> to vector<1x1x768xf32>
    %squeeze3A_112 = vector.shape_cast %slice3A_111 : vector<1x1x768xf32> to vector<768xf32>
    %slice3A_113 = vector.extract_strided_slice %reduce_sum3A_99 {offsets = [1, 0, 0], sizes = [1, 1, 768], strides = [1, 1, 1]} : vector<2x2x768xf32> to vector<1x1x768xf32>
    %squeeze3A_114 = vector.shape_cast %slice3A_113 : vector<1x1x768xf32> to vector<768xf32>
    %slice3A_115 = vector.extract_strided_slice %reduce_sum3A_99 {offsets = [1, 1, 0], sizes = [1, 1, 768], strides = [1, 1, 1]} : vector<2x2x768xf32> to vector<1x1x768xf32>
    %squeeze3A_116 = vector.shape_cast %slice3A_115 : vector<1x1x768xf32> to vector<768xf32>
    %slice3A_117 = vector.extract_strided_slice %squeeze3A_101 {offsets = [0, 0], sizes = [1, 768], strides = [1, 1]} : vector<2x768xf32> to vector<1x768xf32>
    %squeeze3A_118 = vector.shape_cast %slice3A_117 : vector<1x768xf32> to vector<768xf32>
    %sub3A_119 = arith.subf %squeeze3A_110, %squeeze3A_118 : vector<768xf32>
    %slice3A_120 = vector.extract_strided_slice %squeeze3A_101 {offsets = [1, 0], sizes = [1, 768], strides = [1, 1]} : vector<2x768xf32> to vector<1x768xf32>
    %squeeze3A_121 = vector.shape_cast %slice3A_120 : vector<1x768xf32> to vector<768xf32>
    %sub3A_122 = arith.subf %squeeze3A_114, %squeeze3A_121 : vector<768xf32>
    %slice3A_123 = vector.extract_strided_slice %reduce_sum3A_106 {offsets = [0, 0], sizes = [1, 768], strides = [1, 1]} : vector<2x768xf32> to vector<1x768xf32>
    %squeeze3A_124 = vector.shape_cast %slice3A_123 : vector<1x768xf32> to vector<768xf32>
    %sub3A_125 = arith.subf %squeeze3A_110, %squeeze3A_124 : vector<768xf32>
    %slice3A_126 = vector.extract_strided_slice %reduce_sum3A_106 {offsets = [1, 0], sizes = [1, 768], strides = [1, 1]} : vector<2x768xf32> to vector<1x768xf32>
    %squeeze3A_127 = vector.shape_cast %slice3A_126 : vector<1x768xf32> to vector<768xf32>
    %sub3A_128 = arith.subf %squeeze3A_112, %squeeze3A_127 : vector<768xf32>
    %slice3A_129 = vector.extract_strided_slice %squeeze3A_101 {offsets = [0, 0], sizes = [1, 768], strides = [1, 1]} : vector<2x768xf32> to vector<1x768xf32>
    %squeeze3A_130 = vector.shape_cast %slice3A_129 : vector<1x768xf32> to vector<768xf32>
    %sub3A_131 = arith.subf %squeeze3A_110, %squeeze3A_130 : vector<768xf32>
    %slice3A_132 = vector.extract_strided_slice %reduce_sum3A_106 {offsets = [0, 0], sizes = [1, 768], strides = [1, 1]} : vector<2x768xf32> to vector<1x768xf32>
    %squeeze3A_133 = vector.shape_cast %slice3A_132 : vector<1x768xf32> to vector<768xf32>
    %sub3A_134 = arith.subf %sub3A_131, %squeeze3A_133 : vector<768xf32>
    %add3A_135 = arith.addf %sub3A_134, %squeeze3A_108 : vector<768xf32>
    %stack3A_136 = vector.shape_cast %squeeze3A_110 : vector<768xf32> to vector<1x768xf32>
    %stack3A_137 = vector.shape_cast %squeeze3A_112 : vector<768xf32> to vector<1x768xf32>
    %stack3A_138 = vector.shape_cast %sub3A_119 : vector<768xf32> to vector<1x768xf32>
    %stack3A_139 = vector.shape_cast %squeeze3A_114 : vector<768xf32> to vector<1x768xf32>
    %stack3A_140 = vector.shape_cast %squeeze3A_116 : vector<768xf32> to vector<1x768xf32>
    %stack3A_141 = vector.shape_cast %sub3A_122 : vector<768xf32> to vector<1x768xf32>
    %stack3A_142 = vector.shape_cast %sub3A_125 : vector<768xf32> to vector<1x768xf32>
    %stack3A_143 = vector.shape_cast %sub3A_128 : vector<768xf32> to vector<1x768xf32>
    %stack3A_144 = vector.shape_cast %add3A_135 : vector<768xf32> to vector<1x768xf32>
    %stack3A_145 = tpu.concatenate %stack3A_136, %stack3A_137, %stack3A_138, %stack3A_139, %stack3A_140, %stack3A_141, %stack3A_142, %stack3A_143, %stack3A_144 in 0 : vector<1x768xf32>, vector<1x768xf32>, vector<1x768xf32>, vector<1x768xf32>, vector<1x768xf32>, vector<1x768xf32>, vector<1x768xf32>, vector<1x768xf32>, vector<1x768xf32> -> vector<9x768xf32>
    %swap3A_146 = arith.constant 1 : index
    %swap3A_147 = arith.constant 0 : index
    %swap3A_148 = arith.constant 0 : index
    %swap3A_149 = vector.load %arg4[%swap3A_146, %swap3A_147, %swap3A_148] : memref<4x9x768xf32, #tpu.memory_space<vmem>>, vector<1x9x768xf32>
    %swap3A_150 = vector.shape_cast %swap3A_149 : vector<1x9x768xf32> to vector<9x768xf32>
    %swap3A_151 = vector.shape_cast %stack3A_145 : vector<9x768xf32> to vector<1x9x768xf32>
    tpu.vector_store %arg4[%swap3A_146, %swap3A_147, %swap3A_148], %swap3A_151 {strides = array<i32>} : memref<4x9x768xf32, #tpu.memory_space<vmem>>, vector<1x9x768xf32>,
    %get3A_152 = arith.constant 2 : index
    %get3A_153 = arith.constant 0 : index
    %get3A_154 = arith.constant 0 : index
    %get3A_155 = arith.constant 0 : index
    %get3A_156 = vector.load %arg1[%get3A_152, %get3A_153, %get3A_154, %get3A_155] : memref<4x28x28x768xf32, #tpu.memory_space<vmem>>, vector<1x28x28x768xf32>
    %get3A_157 = vector.shape_cast %get3A_156 : vector<1x28x28x768xf32> to vector<28x28x768xf32>
    %get3A_158 = arith.constant 0 : index
    %get3A_159 = arith.constant 0 : index
    %get3A_160 = arith.constant 0 : index
    %get3A_161 = vector.load %arg2[%get3A_158, %get3A_159, %get3A_160] : memref<1x1x768xf32, #tpu.memory_space<vmem>>, vector<1x1x768xf32>
    %get3A_162 = vector.shape_cast %get3A_161 : vector<1x1x768xf32> to vector<1x768xf32>
    %broadcast_in_dim3A_163 = vector.shape_cast %get3A_162 : vector<1x768xf32> to vector<1x1x768xf32>
    %mul3A_164 = vector.broadcast %broadcast_in_dim3A_163 : vector<1x1x768xf32> to vector<28x28x768xf32>
    %mul3A_165 = arith.mulf %get3A_157, %mul3A_164 : vector<28x28x768xf32>
    %get3A_166 = arith.constant 0 : index
    %get3A_167 = arith.constant 0 : index
    %get3A_168 = arith.constant 0 : index
    %get3A_169 = vector.load %arg3[%get3A_166, %get3A_167, %get3A_168] : memref<1x1x768xf32, #tpu.memory_space<vmem>>, vector<1x1x768xf32>
    %get3A_170 = vector.shape_cast %get3A_169 : vector<1x1x768xf32> to vector<1x768xf32>
    %broadcast_in_dim3A_171 = vector.shape_cast %get3A_170 : vector<1x768xf32> to vector<1x1x768xf32>
    %add3A_172 = vector.broadcast %broadcast_in_dim3A_171 : vector<1x1x768xf32> to vector<28x28x768xf32>
    %add3A_173 = arith.addf %mul3A_165, %add3A_172 : vector<28x28x768xf32>
    %convert_element_type3A_174 = arith.truncf %add3A_173 : vector<28x28x768xf32> to vector<28x28x768xbf16>
    %convert_element_type3A_175 = arith.extf %convert_element_type3A_174 : vector<28x28x768xbf16> to vector<28x28x768xf32>
    %reshape3A_176 = vector.shape_cast %convert_element_type3A_175 : vector<28x28x768xf32> to vector<14x2x28x768xf32>
    %reduce_sum3A_177 = arith.constant dense<0.000000e+00> : vector<2x28x768xf32>
    %reduce_sum3A_178 = vector.multi_reduction <add>, %reshape3A_176, %reduce_sum3A_177 [0] : vector<14x2x28x768xf32> to vector<2x28x768xf32>
    %reshape3A_179 = vector.shape_cast %reduce_sum3A_178 : vector<2x28x768xf32> to vector<2x14x2x768xf32>
    %reduce_sum3A_180 = arith.constant dense<0.000000e+00> : vector<2x2x768xf32>
    %reduce_sum3A_181 = vector.multi_reduction <add>, %reshape3A_179, %reduce_sum3A_180 [1] : vector<2x14x2x768xf32> to vector<2x2x768xf32>
    %slice3A_182 = vector.extract_strided_slice %reduce_sum3A_178 {offsets = [0, 0, 0], sizes = [2, 1, 768], strides = [1, 1, 1]} : vector<2x28x768xf32> to vector<2x1x768xf32>
    %squeeze3A_183 = vector.shape_cast %slice3A_182 : vector<2x1x768xf32> to vector<2x768xf32>
    %slice3A_184 = vector.extract_strided_slice %convert_element_type3A_175 {offsets = [0, 0, 0], sizes = [1, 28, 768], strides = [1, 1, 1]} : vector<28x28x768xf32> to vector<1x28x768xf32>
    %squeeze3A_185 = vector.shape_cast %slice3A_184 : vector<1x28x768xf32> to vector<28x768xf32>
    %reshape3A_186 = vector.shape_cast %squeeze3A_185 : vector<28x768xf32> to vector<14x2x768xf32>
    %reduce_sum3A_187 = arith.constant dense<0.000000e+00> : vector<2x768xf32>
    %reduce_sum3A_188 = vector.multi_reduction <add>, %reshape3A_186, %reduce_sum3A_187 [0] : vector<14x2x768xf32> to vector<2x768xf32>
    %slice3A_189 = vector.extract_strided_slice %convert_element_type3A_175 {offsets = [0, 0, 0], sizes = [1, 1, 768], strides = [1, 1, 1]} : vector<28x28x768xf32> to vector<1x1x768xf32>
    %squeeze3A_190 = vector.shape_cast %slice3A_189 : vector<1x1x768xf32> to vector<768xf32>
    %slice3A_191 = vector.extract_strided_slice %reduce_sum3A_181 {offsets = [0, 0, 0], sizes = [1, 1, 768], strides = [1, 1, 1]} : vector<2x2x768xf32> to vector<1x1x768xf32>
    %squeeze3A_192 = vector.shape_cast %slice3A_191 : vector<1x1x768xf32> to vector<768xf32>
    %slice3A_193 = vector.extract_strided_slice %reduce_sum3A_181 {offsets = [0, 1, 0], sizes = [1, 1, 768], strides = [1, 1, 1]} : vector<2x2x768xf32> to vector<1x1x768xf32>
    %squeeze3A_194 = vector.shape_cast %slice3A_193 : vector<1x1x768xf32> to vector<768xf32>
    %slice3A_195 = vector.extract_strided_slice %reduce_sum3A_181 {offsets = [1, 0, 0], sizes = [1, 1, 768], strides = [1, 1, 1]} : vector<2x2x768xf32> to vector<1x1x768xf32>
    %squeeze3A_196 = vector.shape_cast %slice3A_195 : vector<1x1x768xf32> to vector<768xf32>
    %slice3A_197 = vector.extract_strided_slice %reduce_sum3A_181 {offsets = [1, 1, 0], sizes = [1, 1, 768], strides = [1, 1, 1]} : vector<2x2x768xf32> to vector<1x1x768xf32>
    %squeeze3A_198 = vector.shape_cast %slice3A_197 : vector<1x1x768xf32> to vector<768xf32>
    %slice3A_199 = vector.extract_strided_slice %squeeze3A_183 {offsets = [0, 0], sizes = [1, 768], strides = [1, 1]} : vector<2x768xf32> to vector<1x768xf32>
    %squeeze3A_200 = vector.shape_cast %slice3A_199 : vector<1x768xf32> to vector<768xf32>
    %sub3A_201 = arith.subf %squeeze3A_192, %squeeze3A_200 : vector<768xf32>
    %slice3A_202 = vector.extract_strided_slice %squeeze3A_183 {offsets = [1, 0], sizes = [1, 768], strides = [1, 1]} : vector<2x768xf32> to vector<1x768xf32>
    %squeeze3A_203 = vector.shape_cast %slice3A_202 : vector<1x768xf32> to vector<768xf32>
    %sub3A_204 = arith.subf %squeeze3A_196, %squeeze3A_203 : vector<768xf32>
    %slice3A_205 = vector.extract_strided_slice %reduce_sum3A_188 {offsets = [0, 0], sizes = [1, 768], strides = [1, 1]} : vector<2x768xf32> to vector<1x768xf32>
    %squeeze3A_206 = vector.shape_cast %slice3A_205 : vector<1x768xf32> to vector<768xf32>
    %sub3A_207 = arith.subf %squeeze3A_192, %squeeze3A_206 : vector<768xf32>
    %slice3A_208 = vector.extract_strided_slice %reduce_sum3A_188 {offsets = [1, 0], sizes = [1, 768], strides = [1, 1]} : vector<2x768xf32> to vector<1x768xf32>
    %squeeze3A_209 = vector.shape_cast %slice3A_208 : vector<1x768xf32> to vector<768xf32>
    %sub3A_210 = arith.subf %squeeze3A_194, %squeeze3A_209 : vector<768xf32>
    %slice3A_211 = vector.extract_strided_slice %squeeze3A_183 {offsets = [0, 0], sizes = [1, 768], strides = [1, 1]} : vector<2x768xf32> to vector<1x768xf32>
    %squeeze3A_212 = vector.shape_cast %slice3A_211 : vector<1x768xf32> to vector<768xf32>
    %sub3A_213 = arith.subf %squeeze3A_192, %squeeze3A_212 : vector<768xf32>
    %slice3A_214 = vector.extract_strided_slice %reduce_sum3A_188 {offsets = [0, 0], sizes = [1, 768], strides = [1, 1]} : vector<2x768xf32> to vector<1x768xf32>
    %squeeze3A_215 = vector.shape_cast %slice3A_214 : vector<1x768xf32> to vector<768xf32>
    %sub3A_216 = arith.subf %sub3A_213, %squeeze3A_215 : vector<768xf32>
    %add3A_217 = arith.addf %sub3A_216, %squeeze3A_190 : vector<768xf32>
    %stack3A_218 = vector.shape_cast %squeeze3A_192 : vector<768xf32> to vector<1x768xf32>
    %stack3A_219 = vector.shape_cast %squeeze3A_194 : vector<768xf32> to vector<1x768xf32>
    %stack3A_220 = vector.shape_cast %sub3A_201 : vector<768xf32> to vector<1x768xf32>
    %stack3A_221 = vector.shape_cast %squeeze3A_196 : vector<768xf32> to vector<1x768xf32>
    %stack3A_222 = vector.shape_cast %squeeze3A_198 : vector<768xf32> to vector<1x768xf32>
    %stack3A_223 = vector.shape_cast %sub3A_204 : vector<768xf32> to vector<1x768xf32>
    %stack3A_224 = vector.shape_cast %sub3A_207 : vector<768xf32> to vector<1x768xf32>
    %stack3A_225 = vector.shape_cast %sub3A_210 : vector<768xf32> to vector<1x768xf32>
    %stack3A_226 = vector.shape_cast %add3A_217 : vector<768xf32> to vector<1x768xf32>
    %stack3A_227 = tpu.concatenate %stack3A_218, %stack3A_219, %stack3A_220, %stack3A_221, %stack3A_222, %stack3A_223, %stack3A_224, %stack3A_225, %stack3A_226 in 0 : vector<1x768xf32>, vector<1x768xf32>, vector<1x768xf32>, vector<1x768xf32>, vector<1x768xf32>, vector<1x768xf32>, vector<1x768xf32>, vector<1x768xf32>, vector<1x768xf32> -> vector<9x768xf32>
    %swap3A_228 = arith.constant 2 : index
    %swap3A_229 = arith.constant 0 : index
    %swap3A_230 = arith.constant 0 : index
    %swap3A_231 = vector.load %arg4[%swap3A_228, %swap3A_229, %swap3A_230] : memref<4x9x768xf32, #tpu.memory_space<vmem>>, vector<1x9x768xf32>
    %swap3A_232 = vector.shape_cast %swap3A_231 : vector<1x9x768xf32> to vector<9x768xf32>
    %swap3A_233 = vector.shape_cast %stack3A_227 : vector<9x768xf32> to vector<1x9x768xf32>
    tpu.vector_store %arg4[%swap3A_228, %swap3A_229, %swap3A_230], %swap3A_233 {strides = array<i32>} : memref<4x9x768xf32, #tpu.memory_space<vmem>>, vector<1x9x768xf32>,
    %get3A_234 = arith.constant 3 : index
    %get3A_235 = arith.constant 0 : index
    %get3A_236 = arith.constant 0 : index
    %get3A_237 = arith.constant 0 : index
    %get3A_238 = vector.load %arg1[%get3A_234, %get3A_235, %get3A_236, %get3A_237] : memref<4x28x28x768xf32, #tpu.memory_space<vmem>>, vector<1x28x28x768xf32>
    %get3A_239 = vector.shape_cast %get3A_238 : vector<1x28x28x768xf32> to vector<28x28x768xf32>
    %get3A_240 = arith.constant 0 : index
    %get3A_241 = arith.constant 0 : index
    %get3A_242 = arith.constant 0 : index
    %get3A_243 = vector.load %arg2[%get3A_240, %get3A_241, %get3A_242] : memref<1x1x768xf32, #tpu.memory_space<vmem>>, vector<1x1x768xf32>
    %get3A_244 = vector.shape_cast %get3A_243 : vector<1x1x768xf32> to vector<1x768xf32>
    %broadcast_in_dim3A_245 = vector.shape_cast %get3A_244 : vector<1x768xf32> to vector<1x1x768xf32>
    %mul3A_246 = vector.broadcast %broadcast_in_dim3A_245 : vector<1x1x768xf32> to vector<28x28x768xf32>
    %mul3A_247 = arith.mulf %get3A_239, %mul3A_246 : vector<28x28x768xf32>
    %get3A_248 = arith.constant 0 : index
    %get3A_249 = arith.constant 0 : index
    %get3A_250 = arith.constant 0 : index
    %get3A_251 = vector.load %arg3[%get3A_248, %get3A_249, %get3A_250] : memref<1x1x768xf32, #tpu.memory_space<vmem>>, vector<1x1x768xf32>
    %get3A_252 = vector.shape_cast %get3A_251 : vector<1x1x768xf32> to vector<1x768xf32>
    %broadcast_in_dim3A_253 = vector.shape_cast %get3A_252 : vector<1x768xf32> to vector<1x1x768xf32>
    %add3A_254 = vector.broadcast %broadcast_in_dim3A_253 : vector<1x1x768xf32> to vector<28x28x768xf32>
    %add3A_255 = arith.addf %mul3A_247, %add3A_254 : vector<28x28x768xf32>
    %convert_element_type3A_256 = arith.truncf %add3A_255 : vector<28x28x768xf32> to vector<28x28x768xbf16>
    %convert_element_type3A_257 = arith.extf %convert_element_type3A_256 : vector<28x28x768xbf16> to vector<28x28x768xf32>
    %reshape3A_258 = vector.shape_cast %convert_element_type3A_257 : vector<28x28x768xf32> to vector<14x2x28x768xf32>
    %reduce_sum3A_259 = arith.constant dense<0.000000e+00> : vector<2x28x768xf32>
    %reduce_sum3A_260 = vector.multi_reduction <add>, %reshape3A_258, %reduce_sum3A_259 [0] : vector<14x2x28x768xf32> to vector<2x28x768xf32>
    %reshape3A_261 = vector.shape_cast %reduce_sum3A_260 : vector<2x28x768xf32> to vector<2x14x2x768xf32>
    %reduce_sum3A_262 = arith.constant dense<0.000000e+00> : vector<2x2x768xf32>
    %reduce_sum3A_263 = vector.multi_reduction <add>, %reshape3A_261, %reduce_sum3A_262 [1] : vector<2x14x2x768xf32> to vector<2x2x768xf32>
    %slice3A_264 = vector.extract_strided_slice %reduce_sum3A_260 {offsets = [0, 0, 0], sizes = [2, 1, 768], strides = [1, 1, 1]} : vector<2x28x768xf32> to vector<2x1x768xf32>
    %squeeze3A_265 = vector.shape_cast %slice3A_264 : vector<2x1x768xf32> to vector<2x768xf32>
    %slice3A_266 = vector.extract_strided_slice %convert_element_type3A_257 {offsets = [0, 0, 0], sizes = [1, 28, 768], strides = [1, 1, 1]} : vector<28x28x768xf32> to vector<1x28x768xf32>
    %squeeze3A_267 = vector.shape_cast %slice3A_266 : vector<1x28x768xf32> to vector<28x768xf32>
    %reshape3A_268 = vector.shape_cast %squeeze3A_267 : vector<28x768xf32> to vector<14x2x768xf32>
    %reduce_sum3A_269 = arith.constant dense<0.000000e+00> : vector<2x768xf32>
    %reduce_sum3A_270 = vector.multi_reduction <add>, %reshape3A_268, %reduce_sum3A_269 [0] : vector<14x2x768xf32> to vector<2x768xf32>
    %slice3A_271 = vector.extract_strided_slice %convert_element_type3A_257 {offsets = [0, 0, 0], sizes = [1, 1, 768], strides = [1, 1, 1]} : vector<28x28x768xf32> to vector<1x1x768xf32>
    %squeeze3A_272 = vector.shape_cast %slice3A_271 : vector<1x1x768xf32> to vector<768xf32>
    %slice3A_273 = vector.extract_strided_slice %reduce_sum3A_263 {offsets = [0, 0, 0], sizes = [1, 1, 768], strides = [1, 1, 1]} : vector<2x2x768xf32> to vector<1x1x768xf32>
    %squeeze3A_274 = vector.shape_cast %slice3A_273 : vector<1x1x768xf32> to vector<768xf32>
    %slice3A_275 = vector.extract_strided_slice %reduce_sum3A_263 {offsets = [0, 1, 0], sizes = [1, 1, 768], strides = [1, 1, 1]} : vector<2x2x768xf32> to vector<1x1x768xf32>
    %squeeze3A_276 = vector.shape_cast %slice3A_275 : vector<1x1x768xf32> to vector<768xf32>
    %slice3A_277 = vector.extract_strided_slice %reduce_sum3A_263 {offsets = [1, 0, 0], sizes = [1, 1, 768], strides = [1, 1, 1]} : vector<2x2x768xf32> to vector<1x1x768xf32>
    %squeeze3A_278 = vector.shape_cast %slice3A_277 : vector<1x1x768xf32> to vector<768xf32>
    %slice3A_279 = vector.extract_strided_slice %reduce_sum3A_263 {offsets = [1, 1, 0], sizes = [1, 1, 768], strides = [1, 1, 1]} : vector<2x2x768xf32> to vector<1x1x768xf32>
    %squeeze3A_280 = vector.shape_cast %slice3A_279 : vector<1x1x768xf32> to vector<768xf32>
    %slice3A_281 = vector.extract_strided_slice %squeeze3A_265 {offsets = [0, 0], sizes = [1, 768], strides = [1, 1]} : vector<2x768xf32> to vector<1x768xf32>
    %squeeze3A_282 = vector.shape_cast %slice3A_281 : vector<1x768xf32> to vector<768xf32>
    %sub3A_283 = arith.subf %squeeze3A_274, %squeeze3A_282 : vector<768xf32>
    %slice3A_284 = vector.extract_strided_slice %squeeze3A_265 {offsets = [1, 0], sizes = [1, 768], strides = [1, 1]} : vector<2x768xf32> to vector<1x768xf32>
    %squeeze3A_285 = vector.shape_cast %slice3A_284 : vector<1x768xf32> to vector<768xf32>
    %sub3A_286 = arith.subf %squeeze3A_278, %squeeze3A_285 : vector<768xf32>
    %slice3A_287 = vector.extract_strided_slice %reduce_sum3A_270 {offsets = [0, 0], sizes = [1, 768], strides = [1, 1]} : vector<2x768xf32> to vector<1x768xf32>
    %squeeze3A_288 = vector.shape_cast %slice3A_287 : vector<1x768xf32> to vector<768xf32>
    %sub3A_289 = arith.subf %squeeze3A_274, %squeeze3A_288 : vector<768xf32>
    %slice3A_290 = vector.extract_strided_slice %reduce_sum3A_270 {offsets = [1, 0], sizes = [1, 768], strides = [1, 1]} : vector<2x768xf32> to vector<1x768xf32>
    %squeeze3A_291 = vector.shape_cast %slice3A_290 : vector<1x768xf32> to vector<768xf32>
    %sub3A_292 = arith.subf %squeeze3A_276, %squeeze3A_291 : vector<768xf32>
    %slice3A_293 = vector.extract_strided_slice %squeeze3A_265 {offsets = [0, 0], sizes = [1, 768], strides = [1, 1]} : vector<2x768xf32> to vector<1x768xf32>
    %squeeze3A_294 = vector.shape_cast %slice3A_293 : vector<1x768xf32> to vector<768xf32>
    %sub3A_295 = arith.subf %squeeze3A_274, %squeeze3A_294 : vector<768xf32>
    %slice3A_296 = vector.extract_strided_slice %reduce_sum3A_270 {offsets = [0, 0], sizes = [1, 768], strides = [1, 1]} : vector<2x768xf32> to vector<1x768xf32>
    %squeeze3A_297 = vector.shape_cast %slice3A_296 : vector<1x768xf32> to vector<768xf32>
    %sub3A_298 = arith.subf %sub3A_295, %squeeze3A_297 : vector<768xf32>
    %add3A_299 = arith.addf %sub3A_298, %squeeze3A_272 : vector<768xf32>
    %stack3A_300 = vector.shape_cast %squeeze3A_274 : vector<768xf32> to vector<1x768xf32>
    %stack3A_301 = vector.shape_cast %squeeze3A_276 : vector<768xf32> to vector<1x768xf32>
    %stack3A_302 = vector.shape_cast %sub3A_283 : vector<768xf32> to vector<1x768xf32>
    %stack3A_303 = vector.shape_cast %squeeze3A_278 : vector<768xf32> to vector<1x768xf32>
    %stack3A_304 = vector.shape_cast %squeeze3A_280 : vector<768xf32> to vector<1x768xf32>
    %stack3A_305 = vector.shape_cast %sub3A_286 : vector<768xf32> to vector<1x768xf32>
    %stack3A_306 = vector.shape_cast %sub3A_289 : vector<768xf32> to vector<1x768xf32>
    %stack3A_307 = vector.shape_cast %sub3A_292 : vector<768xf32> to vector<1x768xf32>
    %stack3A_308 = vector.shape_cast %add3A_299 : vector<768xf32> to vector<1x768xf32>
    %stack3A_309 = tpu.concatenate %stack3A_300, %stack3A_301, %stack3A_302, %stack3A_303, %stack3A_304, %stack3A_305, %stack3A_306, %stack3A_307, %stack3A_308 in 0 : vector<1x768xf32>, vector<1x768xf32>, vector<1x768xf32>, vector<1x768xf32>, vector<1x768xf32>, vector<1x768xf32>, vector<1x768xf32>, vector<1x768xf32>, vector<1x768xf32> -> vector<9x768xf32>
    %swap3A_310 = arith.constant 3 : index
    %swap3A_311 = arith.constant 0 : index
    %swap3A_312 = arith.constant 0 : index
    %swap3A_313 = vector.load %arg4[%swap3A_310, %swap3A_311, %swap3A_312] : memref<4x9x768xf32, #tpu.memory_space<vmem>>, vector<1x9x768xf32>
    %swap3A_314 = vector.shape_cast %swap3A_313 : vector<1x9x768xf32> to vector<9x768xf32>
    %swap3A_315 = vector.shape_cast %stack3A_309 : vector<9x768xf32> to vector<1x9x768xf32>
    tpu.vector_store %arg4[%swap3A_310, %swap3A_311, %swap3A_312], %swap3A_315 {strides = array<i32>} : memref<4x9x768xf32, #tpu.memory_space<vmem>>, vector<1x9x768xf32>,
    return
  }
  func.func @transform_0(%arg0: i32) -> (i32, i32, i32, i32) {
    %c0_i32 = arith.constant 0 : i32
    %c0_i32_0 = arith.constant 0 : i32
    %c0_i32_1 = arith.constant 0 : i32
    %c0_i32_2 = arith.constant 0 : i32
    return %arg0, %c0_i32, %c0_i32_0, %c0_i32_1 : i32, i32, i32, i32
  }
  func.func @transform_1(%arg0: i32) -> (i32, i32, i32) {
    %c0_i32 = arith.constant 0 : i32
    %c0_i32_0 = arith.constant 0 : i32
    %c0_i32_1 = arith.constant 0 : i32
    %c0_i32_2 = arith.constant 0 : i32
    return %c0_i32, %c0_i32_0, %c0_i32_1 : i32, i32, i32
  }
  func.func @transform_2(%arg0: i32) -> (i32, i32, i32) {
    %c0_i32 = arith.constant 0 : i32
    %c0_i32_0 = arith.constant 0 : i32
    %c0_i32_1 = arith.constant 0 : i32
    %c0_i32_2 = arith.constant 0 : i32
    return %c0_i32, %c0_i32_0, %c0_i32_1 : i32, i32, i32
  }
  func.func @transform_3(%arg0: i32) -> (i32, i32, i32) {
    %c0_i32 = arith.constant 0 : i32
    %c0_i32_0 = arith.constant 0 : i32
    %c0_i32_1 = arith.constant 0 : i32
    return %arg0, %c0_i32, %c0_i32_0 : i32, i32, i32
  }
}

module attributes {stable_mosaic.version = 14 : i64} {
  func.func @_logits_body(%arg0: memref<64x6912xf32, #tpu.memory_space<vmem>>, %arg1: memref<6912x64xbf16, #tpu.memory_space<vmem>>, %arg2: memref<1x64xf32, #tpu.memory_space<vmem>>, %arg3: memref<64x8xbf16, #tpu.memory_space<vmem>>, %arg4: memref<1x8xf32, #tpu.memory_space<vmem>>, %arg5: memref<64x8xf32, #tpu.memory_space<vmem>>, %arg6: memref<64x16xi32, #tpu.memory_space<vmem>>) attributes {dimension_semantics = [], scalar_prefetch = 0 : i64, scratch_operands = 0 : i64, tpu.core_type = #tpu.core_type<tc>} {
    %get3A = arith.constant 0 : index
    %get3A_0 = arith.constant 0 : index
    %get3A_1 = vector.load %arg0[%get3A, %get3A_0] : memref<64x6912xf32, #tpu.memory_space<vmem>>, vector<64x6912xf32>
    %convert_element_type3A = arith.truncf %get3A_1 : vector<64x6912xf32> to vector<64x6912xbf16>
    %convert_element_type3A_2 = arith.extf %convert_element_type3A : vector<64x6912xbf16> to vector<64x6912xf32>
    %sub3A = arith.subf %get3A_1, %convert_element_type3A_2 : vector<64x6912xf32>
    %convert_element_type3A_3 = arith.truncf %sub3A : vector<64x6912xf32> to vector<64x6912xbf16>
    %convert_element_type3A_4 = arith.extf %convert_element_type3A_3 : vector<64x6912xbf16> to vector<64x6912xf32>
    %sub3A_5 = arith.subf %sub3A, %convert_element_type3A_4 : vector<64x6912xf32>
    %convert_element_type3A_6 = arith.truncf %sub3A_5 : vector<64x6912xf32> to vector<64x6912xbf16>
    %get3A_7 = arith.constant 0 : index
    %get3A_8 = arith.constant 0 : index
    %get3A_9 = vector.load %arg1[%get3A_7, %get3A_8] : memref<6912x64xbf16, #tpu.memory_space<vmem>>, vector<6912x64xbf16>
    %dot_general3A = arith.constant dense<0.000000e+00> : vector<64x64xf32>
    %dot_general3A_10 = tpu.matmul %convert_element_type3A, %get3A_9, %dot_general3A {dimension_numbers = #tpu.dot_dimension_numbers<[1], [0], [0], [1], [0, 0, 1, 1], [], []>, transpose_lhs_hint = false} : vector<64x6912xbf16>, vector<6912x64xbf16>, vector<64x64xf32> -> vector<64x64xf32>
    %dot_general3A_11 = arith.constant dense<0.000000e+00> : vector<64x64xf32>
    %dot_general3A_12 = tpu.matmul %convert_element_type3A_3, %get3A_9, %dot_general3A_11 {dimension_numbers = #tpu.dot_dimension_numbers<[1], [0], [0], [1], [0, 0, 1, 1], [], []>, transpose_lhs_hint = false} : vector<64x6912xbf16>, vector<6912x64xbf16>, vector<64x64xf32> -> vector<64x64xf32>
    %add3A = arith.addf %dot_general3A_10, %dot_general3A_12 : vector<64x64xf32>
    %dot_general3A_13 = arith.constant dense<0.000000e+00> : vector<64x64xf32>
    %dot_general3A_14 = tpu.matmul %convert_element_type3A_6, %get3A_9, %dot_general3A_13 {dimension_numbers = #tpu.dot_dimension_numbers<[1], [0], [0], [1], [0, 0, 1, 1], [], []>, transpose_lhs_hint = false} : vector<64x6912xbf16>, vector<6912x64xbf16>, vector<64x64xf32> -> vector<64x64xf32>
    %add3A_15 = arith.addf %add3A, %dot_general3A_14 : vector<64x64xf32>
    %div3A = arith.constant 1.960000e+02 : f32
    %div3A_16 = vector.broadcast %div3A : f32 to vector<64x64xf32>
    %div3A_17 = arith.divf %add3A_15, %div3A_16 : vector<64x64xf32>
    %get3A_18 = arith.constant 0 : index
    %get3A_19 = arith.constant 0 : index
    %get3A_20 = vector.load %arg2[%get3A_18, %get3A_19] : memref<1x64xf32, #tpu.memory_space<vmem>>, vector<1x64xf32>
    %add3A_21 = vector.broadcast %get3A_20 : vector<1x64xf32> to vector<64x64xf32>
    %add3A_22 = arith.addf %div3A_17, %add3A_21 : vector<64x64xf32>
    %convert_element_type3A_23 = arith.truncf %add3A_22 : vector<64x64xf32> to vector<64x64xbf16>
    %get3A_24 = arith.constant 0 : index
    %get3A_25 = arith.constant 0 : index
    %get3A_26 = vector.load %arg3[%get3A_24, %get3A_25] : memref<64x8xbf16, #tpu.memory_space<vmem>>, vector<64x8xbf16>
    %dot_general3A_27 = arith.constant dense<0.000000e+00> : vector<64x8xf32>
    %dot_general3A_28 = tpu.matmul %convert_element_type3A_23, %get3A_26, %dot_general3A_27 {dimension_numbers = #tpu.dot_dimension_numbers<[1], [0], [0], [1], [0, 0, 1, 1], [], []>, transpose_lhs_hint = false} : vector<64x64xbf16>, vector<64x8xbf16>, vector<64x8xf32> -> vector<64x8xf32>
    %get3A_29 = arith.constant 0 : index
    %get3A_30 = arith.constant 0 : index
    %get3A_31 = vector.load %arg4[%get3A_29, %get3A_30] : memref<1x8xf32, #tpu.memory_space<vmem>>, vector<1x8xf32>
    %add3A_32 = vector.broadcast %get3A_31 : vector<1x8xf32> to vector<64x8xf32>
    %add3A_33 = arith.addf %dot_general3A_28, %add3A_32 : vector<64x8xf32>
    %swap3A = arith.constant 0 : index
    %swap3A_34 = arith.constant 0 : index
    %swap3A_35 = vector.load %arg5[%swap3A, %swap3A_34] : memref<64x8xf32, #tpu.memory_space<vmem>>, vector<64x8xf32>
    tpu.vector_store %arg5[%swap3A, %swap3A_34], %add3A_33 {strides = array<i32>} : memref<64x8xf32, #tpu.memory_space<vmem>>, vector<64x8xf32>,
    %reduce_max3A = arith.constant dense<0xFF800000> : vector<64xf32>
    %reduce_max3A_36 = vector.multi_reduction <maximumf>, %add3A_33, %reduce_max3A [1] : vector<64x8xf32> to vector<64xf32>
    %broadcast_in_dim3A = vector.shape_cast %reduce_max3A_36 : vector<64xf32> to vector<64x1xf32>
    %iota3A = tpu.iota {dimensions = array<i32: 1>} : vector<64x8xi32>
    %eq3A = vector.broadcast %broadcast_in_dim3A : vector<64x1xf32> to vector<64x8xf32>
    %eq3A_37 = arith.cmpf oeq, %add3A_33, %eq3A : vector<64x8xf32>
    %jit3A = arith.constant 8 : i32
    %broadcast_in_dim3A_38 = vector.broadcast %jit3A : i32 to vector<64x8xi32>
    %select_n3A = arith.select %eq3A_37, %iota3A, %broadcast_in_dim3A_38 : vector<64x8xi1>, vector<64x8xi32>
    %reduce_min3A = arith.constant dense<2147483647> : vector<64xi32>
    %reduce_min3A_39 = vector.multi_reduction <minsi>, %select_n3A, %reduce_min3A [1] : vector<64x8xi32> to vector<64xi32>
    %broadcast_in_dim3A_40 = vector.shape_cast %reduce_min3A_39 : vector<64xi32> to vector<64x1xi32>
    %broadcast_in_dim3A_41 = vector.shape_cast %broadcast_in_dim3A_40 : vector<64x1xi32> to vector<64x1xi32>
    %broadcast_in_dim3A_42 = vector.broadcast %broadcast_in_dim3A_41 : vector<64x1xi32> to vector<64x16xi32>
    %swap3A_43 = arith.constant 0 : index
    %swap3A_44 = arith.constant 0 : index
    %swap3A_45 = vector.load %arg6[%swap3A_43, %swap3A_44] : memref<64x16xi32, #tpu.memory_space<vmem>>, vector<64x16xi32>
    tpu.vector_store %arg6[%swap3A_43, %swap3A_44], %broadcast_in_dim3A_42 {strides = array<i32>} : memref<64x16xi32, #tpu.memory_space<vmem>>, vector<64x16xi32>,
    return
  }
}

</mosaic_0001>

<sc_bundles>
// kernel: kernel.5.cloned.1.call-start
scs
__scs_entry_jumppad:
0x0: {  	(pc) =	sbr.rel $0x88, $3  }
0x1: {  	(tag) =	ssettag $0x0;
	lr =	simm.s32 $0x1  }
0x2: {  	[smem:$0x3F98] =	sst lr;
	_ =	strace $0xD0000000  }
0x3: {  	_ = 	snop  }
0x4: {  	_ = 	snop  }
0x5: {  	_ = 	snop  }
0x6: {  	_ = 	snop  }
0x7: {  	_ = 	snop  }
__scs_overlays_trampoline_lowered:
0x8: {  	[smem:$0x3FA7] =	sst s0  }
0x9: {  	[smem:$0x3FA8] =	sst s1  }
0xa: {  	[smem:$0x3FA9] =	sst s2  }
0xb: {  	[smem:$0x3FAA] =	sst s3  }
0xc: {  	[smem:$0x3FAB] =	sst s4  }
0xd: {  	[smem:$0x3FAC] =	sst s5  }
0xe: {  	[smem:$0x3FAD] =	sst s6  }
0xf: {  	[smem:$0x3FAE] =	sst s7  }
0x10: {  	[smem:$0x3FAF] =	sst s8  }
0x11: {  	[smem:$0x3FB0] =	sst s9;
	s0 =	simm.s32 @!p0 $0x0  }
0x12: {  	s1 =	sld [smem:$0x3F96];
	s0 =	simm.s32 @p0 $0x1  }
0x13: {  	[smem:$0x3FB1] =	sst s0;
	s0 =	simm.s32 @!p1 $0x0  }
0x14: {  	s2 =	sld [smem:$0x3F95];
	s0 =	simm.s32 @p1 $0x1  }
0x15: {  	[smem:$0x3FB2] =	sst s0;
	s0 =	simm.s32 @!p2 $0x0  }
0x16: {  	s3 =	sld [smem:$0x3FDB];
	s0 =	simm.s32 @p2 $0x1  }
0x17: {  	s4 =	simm.s32 $0x1BF5;
	[smem:$0x3FB4] =	sst s0  }
0x18: {  	s0 =	sld [smem:$0x3F97];
	_ =	swait.ge [sflag:s4], $0x0  }
0x19: {  	s7 =	sld [smem:$0x3F98]  }
0x1a: {  	s8 =	sadd.s32 $0xFFFFE003, lr  }
0x1b: {  	s9 =	sadd.s32 $0xFFFFFEF7, lr;
	s5 =	simm.s32 $0xFFFFFFFF;
	p2 =	slt.u32 s8, $0xFFFFF086  }
0x1c: {  	p1 =	slt.u32 s9, $0xF7A;
	s5 =	simm.s32 @!p2 $0x0  }
0x1d: {  	s5 =	simm.s32 @p1 $0x1;
	p0 =	seq.s32 s7, s2  }
0x1e: {  	s7 =	smul.u32 @!p0 $0xF7A, s2;
	p2 =	seq.s32 @!p0 s5, $0x0  }
0x1f: {  	s9 =	smul.u32 $0xF7A, s1;
	s8 =	simm.s32 @!p0 $0x1BF5;
	p2 =	por !p2, p0  }
0x20: {  	[sflag:s8] =	ssyncset.s32 @!p0 $0xFFFFF086;
	s6 =	sadd.s32 @!p0 s3, s7;
	s7 =	simm.s32 @!p0 $0x108  }
0x21: {  	s3 =	sadd.s32 s3, s9;
	s6 =	sadd.s32 @!p0 $0x88, s6;
	s7 =	simm.s32 @p2 $0x1082  }
0x22: {  	[simem:s7], [sflag:s8] =	dma.local @!p0 [hbm:s6], $0xF7A  }
0x23: {  	s9 =	sor.u32 $0xD0000000, s2;
	s6 =	simm.s32 $0x108;
	_ =	swait.ge @!p0 [sflag:s8], $0x0  }
0x24: {  	s3 =	sadd.s32 $0x88, s3;
	s6 =	simm.s32 @!p1 $0x1082;
	[sflag:s4] =	ssyncset.s32 $0xFFFFF086  }
0x25: {  	[simem:s6], [sflag:s4] =	dma.local [hbm:s3], $0xF7A  }
0x26: {  	[smem:$0x3F98] =	sst s1;
	(tag) =	ssettag s2;
	_ =	strace s9  }
0x27: {  	s1 =	sld [smem:$0x3FA8]  }
0x28: {  	s2 =	sld [smem:$0x3FA9]  }
0x29: {  	s4 =	sld [smem:$0x3FAB]  }
0x2a: {  	p0 =	seq.s32 s5, $0x0;
	s5 =	sld [smem:$0x3FAC]  }
0x2b: {  	s6 =	sld [smem:$0x3FAD]  }
0x2c: {  	s7 =	sld [smem:$0x3FAE]  }
0x2d: {  	s3 =	simm.s32 $0x108;
	s8 =	sld [smem:$0x3FAF]  }
0x2e: {  	s3 =	simm.s32 @!p0 $0x1082;
	s9 =	sld [smem:$0x3FB0]  }
0x2f: {  	lr =	sadd.s32 s0, s3;
	s0 =	sld [smem:$0x3FA7]  }
0x30: {  	s3 =	sld [smem:$0x3FAA]  }
0x31: {  	[smem:$0x3FB3] =	sst s10  }
0x32: {  	s10 =	sld [smem:$0x3FB1];
	_ =	sdelay $0x3  }
0x33: {  	p0 =	seq.s32 s10, $0x1;
	s10 =	sld [smem:$0x3FB3];
	_ =	sdelay $0x3  }
0x34: {  	[smem:$0x3FB3] =	sst s10  }
0x35: {  	s10 =	sld [smem:$0x3FB2];
	_ =	sdelay $0x3  }
0x36: {  	p1 =	seq.s32 s10, $0x1;
	s10 =	sld [smem:$0x3FB3];
	_ =	sdelay $0x3  }
0x37: {  	[smem:$0x3FB3] =	sst s10  }
0x38: {  	s10 =	sld [smem:$0x3FB4]  }
0x39: {  	_ = 	snop;
	(pc) =	sbr.ind lr, $3  }
0x3a: {  	_ = 	snop  }
0x3b: {  	_ = 	snop  }
0x3c: {  	p2 =	seq.s32 s10, $0x1;
	s10 =	sld [smem:$0x3FB3]  }
0x3d: {  	_ =	shalt  }
0x3e: {  	_ =	shalt  }
0x3f: {  	_ =	shalt  }
0x40: {  	_ =	shalt  }
0x41: {  	_ =	shalt  }
0x42: {  	_ =	shalt  }
0x43: {  	_ =	shalt  }
0x44: {  	_ =	shalt  }
0x45: {  	_ =	shalt  }
0x46: {  	_ =	shalt  }
0x47: {  	_ =	shalt  }
0x48: {  	_ =	shalt  }
0x49: {  	_ =	shalt  }
0x4a: {  	_ =	shalt  }
0x4b: {  	_ =	shalt  }
0x4c: {  	_ =	shalt  }
0x4d: {  	_ =	shalt  }
0x4e: {  	_ =	shalt  }
0x4f: {  	_ =	shalt  }
0x50: {  	_ =	shalt  }
0x51: {  	_ =	shalt  }
0x52: {  	_ =	shalt  }
0x53: {  	_ =	shalt  }
0x54: {  	_ =	shalt  }
0x55: {  	_ =	shalt  }
0x56: {  	_ =	shalt  }
0x57: {  	_ =	shalt  }
0x58: {  	_ =	shalt  }
0x59: {  	_ =	shalt  }
0x5a: {  	_ =	shalt  }
0x5b: {  	_ =	shalt  }
0x5c: {  	_ =	shalt  }
0x5d: {  	_ =	shalt  }
0x5e: {  	_ =	shalt  }
0x5f: {  	_ =	shalt  }
0x60: {  	_ =	shalt  }
0x61: {  	_ =	shalt  }
0x62: {  	_ =	shalt  }
0x63: {  	_ =	shalt  }
0x64: {  	_ =	shalt  }
0x65: {  	_ =	shalt  }
0x66: {  	_ =	shalt  }
0x67: {  	_ =	shalt  }
0x68: {  	_ =	shalt  }
0x69: {  	_ =	shalt  }
0x6a: {  	_ =	shalt  }
0x6b: {  	_ =	shalt  }
0x6c: {  	_ =	shalt  }
0x6d: {  	_ =	shalt  }
0x6e: {  	_ =	shalt  }
0x6f: {  	_ =	shalt  }
0x70: {  	_ =	shalt  }
0x71: {  	_ =	shalt  }
0x72: {  	_ =	shalt  }
0x73: {  	_ =	shalt  }
0x74: {  	_ =	shalt  }
0x75: {  	_ =	shalt  }
0x76: {  	_ =	shalt  }
0x77: {  	_ =	shalt  }
0x78: {  	_ =	shalt  }
0x79: {  	_ =	shalt  }
0x7a: {  	_ =	shalt  }
0x7b: {  	_ =	shalt  }
0x7c: {  	_ =	shalt  }
0x7d: {  	_ =	shalt  }
0x7e: {  	_ =	shalt  }
0x7f: {  	_ =	shalt  }
0x80: {  	_ =	shalt  }
0x81: {  	_ =	shalt  }
0x82: {  	_ =	shalt  }
0x83: {  	_ =	shalt  }
0x84: {  	_ =	shalt  }
0x85: {  	_ =	shalt  }
0x86: {  	_ =	shalt  }
0x87: {  	_ =	shalt  }
.Lfunc_end0:
.L_simem_size_0:
called_computation_lowered:
.L_overlay_start_0:
0x88: {  	s2 =	sld [smem:$0x3FD9]  }
0x89: {  	s3 =	sld [smem:$0x3FFE];
	_ =	sdelay $0x1  }
0x8a: {  	s1 =	srdreg.scid  }
0x8b: {  	s0 =	sand.u32 $0x1, s1  }
0x8c: {  	s14 =	sshll.u32 s0, $0xA;
	s2 =	sadd.s32 s3, s2  }
0x8d: {  	s2 =	sadd.s32 s2, s14  }
0x8e: {  	[smem:$0x3FBF] =	sst s2  }
0x8f: {  	_ = 	snop  }
0x90: {  	s2 =	sld [smem:$0x3FD0];
	_ =	sdelay $0x2  }
0x91: {  	s15 =	simm.s32 $0xA;
	s4 =	simm.s32 $0x10  }
0x92: {  	[smem:s4], [sflag:s15] =	dma.local [hbm:s2], $0x1  }
0x93: {  	_ =	swait.eq [sflag:s15], $0x1  }
0x94: {  	[sflag:s15] =	ssyncset.done $0x0  }
0x95: {  	[sflag:s15] =	ssyncadd.s32 $0xFFFFFFFF  }
0x96: {  	s16 =	sld [smem:$0x10];
	(tm) =	ssettm $0x1  }
0x97: {  	s17 =	sld [smem:$0x3FFB];
	_ =	sdelay $0x3  }
0x98: {  	_ =	strace s17  }
0x99: {  	s3 =	sld [smem:$0x3FFC];
	_ =	sdelay $0x3  }
0x9a: {  	_ =	strace s3  }
0x9b: {  	s3 =	sld [smem:$0x3FFD];
	_ =	sdelay $0x3  }
0x9c: {  	_ =	strace s3  }
0x9d: {  	_ =	strace $0x8FFFFFFF  }
0x9e: {  	s18 =	sld [smem:$0x3FDB];
	_ =	sdelay $0x1  }
0x9f: {  	s19 =	simm.s32 $_scs_section_size  }
0xa0: {  	s5 =	simm.s32 $_size__tile_overlayer_lowered;
	s6 =	simm.s32 $_tile_overlayer_lowered  }
0xa1: {  	s22 =	simm.s32 $0x1BFF;
	s21 =	sshll.u32 s6, $0x1;
	s3 =	sadd.s32 s19, s18  }
0xa2: {  	s7 =	simm.s32 $0x0;
	s20 =	sshll.u32 s5, $0x1;
	s5 =	sadd.s32 s21, s3  }
0xa3: {  	[timem:s7], [sflag:s22] =	dma.local [hbm:s5], s20  }
0xa4: {  	_ =	swait.ge [sflag:s22], s20  }
0xa5: {  	s4 =	ssub.s32 $0x0, s20;
	[sflag:s22] =	ssyncset.done $0x0  }
0xa6: {  	[sflag:s22] =	ssyncadd.s32 s4;
	_ =	sdelay $0x1  }
0xa7: {  	s23 =	simm.s32 $0x1B8B  }
0xa8: {  	_ =	swait.ge [sflag:s23], $0x1  }
0xa9: {  	[sflag:s23] =	ssyncset.done $0x0  }
0xaa: {  	s25 =	simm.s32 $0x1B8E;
	s24 =	sld [smem:$0x3FFE];
	[sflag:s23] =	ssyncadd.s32 $0xFFFFFFFF  }
0xab: {  	s26 =	simm.s32 $execute0_lowered;
	[smem:$0x3FD2] =	sst s25  }
0xac: {  	s5 =	sshll.u32 s26, $0x1;
	_ =	strace $0x80000046;
	[dreg:$0x1] =	wrdreg $0xFFFFFFFF  }
0xad: {  	s28 =	simm.s32 $_size_execute0_lowered;
	s3 =	sadd.s32 s3, s5;
	[dreg:$0x0] =	wrdreg $0x0  }
0xae: {  	s5 =	sshll.u32 s28, $0x1;
	[dreg:$0x2] =	wrdreg s3  }
0xaf: {  	[dreg:$0x3] =	wrdreg s5  }
0xb0: {  	[dreg:$0x4] =	wrdreg $0xC0  }
0xb1: {  	_ =	task [dreg:s7], $0x5FFFF  }
0xb2: {  	[dreg:$0x1] =	wrdreg $0xFFFFFFFF  }
0xb3: {  	[dreg:$0x0] =	wrdreg $0x60  }
0xb4: {  	[dreg:$0x2] =	wrdreg s24  }
0xb5: {  	[dreg:$0x3] =	wrdreg s16  }
0xb6: {  	[dreg:$0x4] =	wrdreg $0x9  }
0xb7: {  	_ =	task.clear_ibuf [dreg:s7], $0x5FFFF;
	_ =	strace $0x90000046  }
0xb8: {  	s29 =	simm.s32 $0x9;
	_ =	strace $0x80000048  }
0xb9: {  	_ =	swait.ge [sflag:s29], $0x1  }
0xba: {  	[sflag:s29] =	ssyncadd.s32 $0xFFFFFFFF  }
0xbb: {  	_ =	strace $0x90000048  }
0xbc: {  	_ =	sfence  }
0xbd: {  	s30 =	sld [smem:$0x0];
	_ =	sdelay $0x2  }
0xbe: {  	s31 =	sshll.u32 s1, $0xD;
	s1 =	sshrl.u32 s1, $0x2  }
0xbf: {  	s3 =	sand.u32 $0x4000, s31;
	s1 =	sadd.s32 s1, s30  }
0xc0: {  	s0 =	sor.u32 s3, s0;
	s1 =	sshll.u32 s1, $0x11  }
0xc1: {  	s0 =	sor.u32 s1, s0  }
0xc2: {  	s0 =	sadd.s32 $0x8F2B, s0  }
0xc3: {  	[sflag:s0] =	ssyncadd.remote.s32 $0x1  }
0xc4: {  	_ =	sfence.sel $0xFFFF  }
0xc5: {  	[dreg:$0x0] =	wrdreg $0xFFFFFFFF;
	(pc) =	sbr.abs _section_cstart, $3  }
0xc6: {  	[dreg:$0x1] =	wrdreg $0xFFFFFFFF  }
0xc7: {  	_ =	task.clear_ibuf [dreg:s7], $0x2FFFF;
	_ =	strace $0x9FFFFFFF  }
0xc8: {  	(tm) =	ssettm $0x7FFFFFFF  }
0xc9: {  	_ =	shalt  }
tec
execute0_lowered:
.L_overlay_start_1:
0x0: {  	(tag) =	ssettag $0x1  }
0x1: {  	s0 =	rddreg [dreg:$0x0]  }
0x2: {  	s1 =	rddreg [dreg:$0x1];
	s2 =	simm.s32 $0x0;
	s3 =	srdreg.scid  }
0x3: {  	s6 =	stileid.u32;
	s28 =	simm.s32 $0x1;
	s30 =	simm.s32 $0x2  }
0x4: {  	s29 =	simm.s32 $0x0;
	s4 =	sand.u32 $0x1, s3;
	s6 =	sshll.u32 s6, $0x1  }
0x5: {  	[smem:$0x7FF] =	sst s2;
	s5 =	ssub.s32 $0x2, s4;
	s4 =	sor.u32 s4, s6  }
0x6: {  	s3 =	sadd.s32 $0x541A00, s0;
	s0 =	sadd.s32 $0x1E00, s0;
	s20 =	smul.u32 $0x24C00, s4  }
0x7: {  	_ =	strace $0x80000047;
	s7 =	sshrl.u32 s5, $0x1;
	s21 =	smul.u32 $0x620, s4  }
0x8: {  	s6 =	sshll.u32 s4, $0x2;
	s22 =	sshllo.u32 s4, $0x1;
	s4 =	smul.u32 $0x4980, s4  }
0x9: {  	s5 =	ssub.s32 s5, s7;
	s6 =	sadd.s32 s0, s6;
	s8 =	sshll.u32 s22, $0x1  }
0xa: {  	s23 =	smul.u32 $0x310, s22;
	s22 =	simm.s32 $0x3;
	[dreg:$0x3] =	wrdreg s6  }
0xb: {  	s7 =	sshrl.u32 s20, $0x3;
	s0 =	sadd.s32 s0, s8;
	s20 =	smax.u32 s5, $0x1  }
0xc: {  	[dreg:$0x4] =	wrdreg s0;
	s19 =	sadd.s32 s1, s7;
	s1 =	sadd.s32 s1, s4  }
0xd: {  	[dreg:$0x5] =	wrdreg s1;
	s24 =	sadd.s32 $0x540, s19;
	s25 =	sadd.s32 $0xA80, s19  }
0xe: {  	s26 =	sadd.s32 $0xFC0, s19;
	s31 =	sadd.s32 $0x1500, s19;
	s11 =	sadd.s32 $0x1A40, s19  }
0xf: {  	s12 =	sadd.s32 $0x1F80, s19;
	s13 =	sadd.s32 $0x24C0, s19;
	[dreg:$0x6] =	wrdreg s24  }
0x10: {  	s14 =	sadd.s32 $0x2A00, s19;
	s15 =	sadd.s32 $0x2F40, s19;
	[dreg:$0x7] =	wrdreg s25  }
0x11: {  	s16 =	sadd.s32 $0x3480, s19;
	s17 =	sadd.s32 $0x39C0, s19;
	[dreg:$0x8] =	wrdreg s26  }
0x12: {  	v1 =	vlaneseq.u32;
	s18 =	sadd.s32 $0x3F00, s19;
	s19 =	sadd.s32 $0x4440, s19;
	[dreg:$0x9] =	wrdreg s31  }
0x13: {  	v0 =	vor.u32 s21, v1;
	v1 =	vor.u32 s23, v1;
	s24 =	simm.s32 $0x70;
	s25 =	simm.s32 $0x640;
	s26 =	simm.s32 $0x3040  }
.LBB2_1:
0x14: {  	s0 =	rddreg [dreg:$0x3];
	s1 =	simm.s32 $0x620;
	s5 =	smul.u32 $0x25, s2  }
0x15: {  	[tilespmem:s1], [sflag:$0x3] =	stream.linear.gather [hbm4b:s0+s2], $0x10, $0x38;
	[tilespmem:$0x5A40] =	vst v63  }
0x16: {  	_ =	swait.ge [sflag:s22], $0x10;
	s7 =	sshrl.u32 s5, $0x8  }
0x17: {  	s4 =	simm.s32 $0x630;
	[sflag:s22] =	ssyncset.done $0x0;
	s0 =	ssub.s32 $0x0, s7  }
0x18: {  	s6 =	rddreg [dreg:$0x4];
	[sflag:s22] =	ssyncadd.s32 $0xFFFFFFF0;
	s8 =	sand.u32 $0xFE, s0  }
0x19: {  	[tilespmem:s4], [sflag:$0x3] =	stream.linear.gather [hbm4b:s6+s2], $0x10, $0x38;
	[tilespmem:$0x5A40] =	vst v63  }
0x1a: {  	s0 =	simm.s32 $0x1;
	s4 =	sshrl.u32 s8, $0x1  }
0x1b: {  	s5 =	smul.u32 $0x25, s0;
	_ =	swait.ge [sflag:s22], $0x10;
	s1 =	sadd.s32 s7, s4  }
0x1c: {  	[sflag:s22] =	ssyncset.done $0x0;
	s1 =	sand.u32 $0xFC, s1  }
0x1d: {  	s5 =	sshrl.u32 s5, $0x8;
	[sflag:s22] =	ssyncadd.s32 $0xFFFFFFF0;
	s9 =	sshrl.u32 s1, $0x2  }
0x1e: {  	s23 =	ssub.s32 $0x1, s5;
	v3 =	vld [tilespmem:$0x620];
	s21 =	smul.u32 $0x7, s9  }
0x1f: {  	s1 =	simm.s32 $0x2;
	s23 =	sand.u32 $0xFE, s23  }
0x20: {  	s31 =	smul.u32 $0x1C0, s9;
	s23 =	sshrl.u32 s23, $0x1;
	s21 =	ssub.s32 $0x0, s21  }
0x21: {  	v2 =	vadd.s32 s2, v0;
	s4 =	smul.u32 $0x25, s1;
	s5 =	sadd.s32 s5, s23;
	s21 =	sand.u32 $0xFF, s21  }
0x22: {  	v4 =	vshll.u32 v2, $0x3;
	s10 =	sshrl.u32 s31, $0x2;
	s31 =	simm.s32 $0x3;
	s21 =	sshll.u32 s21, $0x4  }
0x23: {  	v2 =	vld [tilespmem:$0x630];
	s23 =	simm.s32 $0x0;
	s5 =	sand.u32 $0xFC, s5;
	v4 =	vadd.s32 v3, v4;
	s21 =	sadd.s32 s21, s10  }
.LBB2_2:
0x24: {  	p0 =	sne.s32 s31, $0x30;
	s5 =	sshrl.u32 s5, $0x2  }
0x25: {  	[tilespmem:s21+$0x0] =	vst v4;
	s21 =	smov.u32 s0;
	s0 =	smov.u32 s1;
	s1 =	smov.u32 s31  }
0x26: {  	s6 =	sshrl.u32 s4, $0x8;
	s4 =	smul.u32 $0x7, s5  }
.Ltmp0:
0x27: {  	s23 =	sadd.s32 $0x10, s23;
	s7 =	ssub.s32 s0, s6;
	(pc) =	sbr.rel @p0 .LBB2_2-.Ltmp0, $4  }
0x28: {  	s5 =	smul.u32 $0x1C0, s5;
	s7 =	sand.u32 $0xFE, s7;
	s21 =	ssub.s32 s21, s4  }
0x29: {  	v4 =	vadd.s32 s23, v0;
	s4 =	smul.u32 $0x25, s31;
	s7 =	sshrl.u32 s7, $0x1;
	s21 =	sand.u32 $0xFF, s21  }
0x2a: {  	v4 =	vshll.u32 v4, $0x3;
	s6 =	sadd.s32 s6, s7;
	s7 =	sshrl.u32 s5, $0x2;
	s21 =	sshll.u32 s21, $0x4  }
0x2b: {  	s31 =	sadd.s32 $0x1, s31;
	v4 =	vadd.s32 v3, v4;
	s5 =	sand.u32 $0xFC, s6;
	s21 =	sadd.s32 s21, s7  }
0x2c: {  	s5 =	sshrl.u32 s5, $0x2  }
0x2d: {  	s4 =	sshrl.u32 s4, $0x8;
	s31 =	simm.s32 $0x0;
	s7 =	smul.u32 $0x7, s5  }
0x2e: {  	s6 =	ssub.s32 s1, s4;
	s8 =	smul.u32 $0x25, s31  }
0x2f: {  	s23 =	sadd.s32 $0x10, s23;
	s5 =	smul.u32 $0x1C0, s5;
	s6 =	sand.u32 $0xFE, s6  }
0x30: {  	[tilespmem:s21+$0x0] =	vst v4;
	s21 =	simm.s32 $0x3;
	s6 =	sshrl.u32 s6, $0x1;
	s0 =	ssub.s32 s0, s7  }
0x31: {  	s5 =	sshrl.u32 s5, $0x2;
	s4 =	sadd.s32 s4, s6;
	s6 =	sshrl.u32 s8, $0x8  }
0x32: {  	s0 =	sand.u32 $0xFF, s0;
	s4 =	sand.u32 $0xFC, s4;
	s10 =	ssub.s32 $0x0, s6  }
0x33: {  	s8 =	sshll.u32 s0, $0x4;
	s4 =	sshrl.u32 s4, $0x2;
	s7 =	sand.u32 $0xFE, s10  }
0x34: {  	s0 =	simm.s32 $0x1;
	s9 =	smul.u32 $0x7, s4;
	s7 =	sshrl.u32 s7, $0x1  }
0x35: {  	s10 =	smul.u32 $0x25, s0;
	s5 =	sadd.s32 s8, s5;
	s6 =	sadd.s32 s6, s7  }
0x36: {  	s4 =	smul.u32 $0x1C0, s4;
	s9 =	ssub.s32 s1, s9;
	s6 =	sand.u32 $0xFC, s6  }
0x37: {  	s7 =	sshrl.u32 s10, $0x8;
	s1 =	sand.u32 $0xFF, s9;
	s6 =	sshrl.u32 s6, $0x2  }
0x38: {  	s4 =	sshrl.u32 s4, $0x2;
	s1 =	sshll.u32 s1, $0x4;
	s8 =	smul.u32 $0x7, s6  }
0x39: {  	v5 =	vadd.s32 s23, v0;
	s9 =	ssub.s32 $0x1, s7;
	s10 =	sadd.s32 s1, s4;
	s4 =	sadd.s32 $0x10, s23  }
0x3a: {  	v5 =	vshll.u32 v5, $0x3;
	s9 =	sand.u32 $0xFE, s9;
	s6 =	smul.u32 $0x1C0, s6;
	v6 =	vadd.s32 s4, v0;
	s8 =	ssub.s32 $0x0, s8  }
0x3b: {  	v63 =	vadd.s32 s31, v1;
	v4 =	vadd.s32 v3, v5;
	s23 =	sshrl.u32 s9, $0x1;
	s1 =	simm.s32 $0x2;
	v5 =	vshll.u32 v6, $0x3;
	s8 =	sand.u32 $0xFF, s8  }
0x3c: {  	[tilespmem:s5+$0x0] =	vst v4;
	v4 =	vshll.u32 v63, $0x3;
	s7 =	sadd.s32 s7, s23;
	s6 =	sshrl.u32 s6, $0x2;
	v3 =	vadd.s32 v3, v5;
	s8 =	sshll.u32 s8, $0x4  }
0x3d: {  	s4 =	smul.u32 $0x25, s1;
	s5 =	sand.u32 $0xFC, s7;
	[tilespmem:s10+$0x0] =	vst v3;
	v3 =	vadd.s32 v2, v4;
	s23 =	sadd.s32 s8, s6  }
.LBB2_4:
0x3e: {  	p0 =	sne.s32 s21, $0x30;
	s5 =	sshrl.u32 s5, $0x2  }
0x3f: {  	[tilespmem:s23+$0x310] =	vst v3;
	s6 =	smov.u32 s0;
	s0 =	smov.u32 s1;
	s1 =	smov.u32 s21  }
0x40: {  	s7 =	sshrl.u32 s4, $0x8;
	s4 =	smul.u32 $0x7, s5  }
.Ltmp1:
0x41: {  	s31 =	sadd.s32 $0x10, s31;
	s8 =	ssub.s32 s0, s7;
	(pc) =	sbr.rel @p0 .LBB2_4-.Ltmp1, $4  }
0x42: {  	s5 =	smul.u32 $0x1C0, s5;
	s8 =	sand.u32 $0xFE, s8;
	s6 =	ssub.s32 s6, s4  }
0x43: {  	v3 =	vadd.s32 s31, v1;
	s4 =	smul.u32 $0x25, s21;
	s8 =	sshrl.u32 s8, $0x1;
	s6 =	sand.u32 $0xFF, s6  }
0x44: {  	v3 =	vshll.u32 v3, $0x3;
	s7 =	sadd.s32 s7, s8;
	s8 =	sshrl.u32 s5, $0x2;
	s6 =	sshll.u32 s6, $0x4  }
0x45: {  	s21 =	sadd.s32 $0x1, s21;
	v3 =	vadd.s32 v2, v3;
	s5 =	sand.u32 $0xFC, s7;
	s23 =	sadd.s32 s6, s8  }
0x46: {  	s4 =	sshrl.u32 s4, $0x8  }
0x47: {  	s6 =	ssub.s32 s1, s4  }
0x48: {  	s6 =	sand.u32 $0xFE, s6  }
0x49: {  	s6 =	sshrl.u32 s6, $0x1  }
0x4a: {  	s5 =	sshrl.u32 s5, $0x2;
	s4 =	sadd.s32 s4, s6  }
0x4b: {  	s10 =	smul.u32 $0x7, s5;
	s4 =	sand.u32 $0xFC, s4  }
0x4c: {  	s4 =	sshrl.u32 s4, $0x2  }
0x4d: {  	s0 =	ssub.s32 s0, s10;
	s7 =	smul.u32 $0x7, s4  }
0x4e: {  	s31 =	sadd.s32 $0x10, s31;
	s5 =	smul.u32 $0x1C0, s5;
	s0 =	sand.u32 $0xFF, s0  }
0x4f: {  	v4 =	vadd.s32 s31, v1;
	s6 =	sadd.s32 $0x10, s31;
	s4 =	smul.u32 $0x1C0, s4;
	s21 =	ssub.s32 s1, s7  }
0x50: {  	v4 =	vshll.u32 v4, $0x3;
	s5 =	sshrl.u32 s5, $0x2;
	v5 =	vadd.s32 s6, v1;
	s0 =	sshll.u32 s0, $0x4;
	s1 =	sand.u32 $0xFF, s21  }
0x51: {  	[tilespmem:s23+$0x310] =	vst v3;
	v3 =	vadd.s32 v2, v4;
	s0 =	sadd.s32 s0, s5;
	v63 =	vshll.u32 v5, $0x3;
	s4 =	sshrl.u32 s4, $0x2;
	s1 =	sshll.u32 s1, $0x4  }
0x52: {  	[tilespmem:s0+$0x310] =	vst v3;
	v2 =	vadd.s32 v2, v63;
	s7 =	sadd.s32 s1, s4  }
0x53: {  	[tilespmem:s7+$0x310] =	vst v2  }
0x54: {  	[tilespmem:s25], [sflag:$0x1] =	stream.indirect.gather [hbm4b:s3+s24], $0x60, s2, s24, $0xb8;
	[tilespmem:$0x5A40] =	vst v63  }
0x55: {  	_ = 	snop  }
0x56: {  	[tilespmem:s26], [sflag:$0x2] =	stream.indirect.gather [hbm4b:s3+s24], $0x60, s24, s24, $0xb8;
	[tilespmem:$0x5A40] =	vst v63  }
0x57: {  	_ =	swait.ge [sflag:s28], $0x2A00  }
0x58: {  	[sflag:s28] =	ssyncset.done $0x0  }
0x59: {  	s8 =	rddreg [dreg:$0x5];
	[sflag:s28] =	ssyncadd.s32 $0xFFFFD600  }
0x5a: {  	[hbm4b:s8+s2] =	stream.linear.scatter [tilespmem:s25], [sflag:$0x3], $0x2A00, $0x38;
	[tilespmem:$0x5A40] =	vst v63  }
0x5b: {  	_ =	swait.ge [sflag:s22], $0x2A00  }
0x5c: {  	[sflag:s22] =	ssyncset.done $0x0  }
0x5d: {  	s9 =	simm.s32 $0xE0;
	[sflag:s22] =	ssyncadd.s32 $0xFFFFD600  }
0x5e: {  	[tilespmem:s25], [sflag:$0x1] =	stream.indirect.gather [hbm4b:s3+s24], $0x60, s9, s24, $0xb8;
	[tilespmem:$0x5A40] =	vst v63  }
0x5f: {  	_ =	swait.ge [sflag:s30], $0x2A00  }
0x60: {  	[sflag:s30] =	ssyncset.done $0x0  }
0x61: {  	s10 =	rddreg [dreg:$0x6];
	[sflag:s30] =	ssyncadd.s32 $0xFFFFD600  }
0x62: {  	[hbm4b:s10+s2] =	stream.linear.scatter [tilespmem:s26], [sflag:$0x3], $0x2A00, $0x38;
	[tilespmem:$0x5A40] =	vst v63  }
0x63: {  	_ =	swait.ge [sflag:s22], $0x2A00  }
0x64: {  	[sflag:s22] =	ssyncset.done $0x0  }
0x65: {  	s21 =	simm.s32 $0x150;
	[sflag:s22] =	ssyncadd.s32 $0xFFFFD600  }
0x66: {  	[tilespmem:s26], [sflag:$0x2] =	stream.indirect.gather [hbm4b:s3+s24], $0x60, s21, s24, $0xb8;
	[tilespmem:$0x5A40] =	vst v63  }
0x67: {  	_ =	swait.ge [sflag:s28], $0x2A00  }
0x68: {  	[sflag:s28] =	ssyncset.done $0x0  }
0x69: {  	s23 =	rddreg [dreg:$0x7];
	[sflag:s28] =	ssyncadd.s32 $0xFFFFD600  }
0x6a: {  	[hbm4b:s23+s2] =	stream.linear.scatter [tilespmem:s25], [sflag:$0x3], $0x2A00, $0x38;
	[tilespmem:$0x5A40] =	vst v63  }
0x6b: {  	_ =	swait.ge [sflag:s22], $0x2A00  }
0x6c: {  	[sflag:s22] =	ssyncset.done $0x0  }
0x6d: {  	s31 =	simm.s32 $0x1C0;
	[sflag:s22] =	ssyncadd.s32 $0xFFFFD600  }
0x6e: {  	[tilespmem:s25], [sflag:$0x1] =	stream.indirect.gather [hbm4b:s3+s24], $0x60, s31, s24, $0xb8;
	[tilespmem:$0x5A40] =	vst v63  }
0x6f: {  	_ =	swait.ge [sflag:s30], $0x2A00  }
0x70: {  	[sflag:s30] =	ssyncset.done $0x0  }
0x71: {  	s1 =	rddreg [dreg:$0x8];
	[sflag:s30] =	ssyncadd.s32 $0xFFFFD600  }
0x72: {  	[hbm4b:s1+s2] =	stream.linear.scatter [tilespmem:s26], [sflag:$0x3], $0x2A00, $0x38;
	[tilespmem:$0x5A40] =	vst v63  }
0x73: {  	_ =	swait.ge [sflag:s22], $0x2A00  }
0x74: {  	[sflag:s22] =	ssyncset.done $0x0  }
0x75: {  	s4 =	simm.s32 $0x230;
	[sflag:s22] =	ssyncadd.s32 $0xFFFFD600  }
0x76: {  	[tilespmem:s26], [sflag:$0x2] =	stream.indirect.gather [hbm4b:s3+s24], $0x60, s4, s24, $0xb8;
	[tilespmem:$0x5A40] =	vst v63  }
0x77: {  	_ =	swait.ge [sflag:s28], $0x2A00  }
0x78: {  	[sflag:s28] =	ssyncset.done $0x0  }
0x79: {  	s5 =	rddreg [dreg:$0x9];
	[sflag:s28] =	ssyncadd.s32 $0xFFFFD600  }
0x7a: {  	[hbm4b:s5+s2] =	stream.linear.scatter [tilespmem:s25], [sflag:$0x3], $0x2A00, $0x38;
	[tilespmem:$0x5A40] =	vst v63  }
0x7b: {  	_ =	swait.ge [sflag:s22], $0x2A00  }
0x7c: {  	[sflag:s22] =	ssyncset.done $0x0  }
0x7d: {  	s6 =	simm.s32 $0x2A0;
	[sflag:s22] =	ssyncadd.s32 $0xFFFFD600  }
0x7e: {  	[tilespmem:s25], [sflag:$0x1] =	stream.indirect.gather [hbm4b:s3+s24], $0x60, s6, s24, $0xb8;
	[tilespmem:$0x5A40] =	vst v63  }
0x7f: {  	_ =	swait.ge [sflag:s30], $0x2A00  }
0x80: {  	[sflag:s30] =	ssyncset.done $0x0  }
0x81: {  	[sflag:s30] =	ssyncadd.s32 $0xFFFFD600  }
0x82: {  	[hbm4b:s11+s2] =	stream.linear.scatter [tilespmem:s26], [sflag:$0x3], $0x2A00, $0x38;
	[tilespmem:$0x5A40] =	vst v63  }
0x83: {  	_ =	swait.ge [sflag:s22], $0x2A00  }
0x84: {  	[sflag:s22] =	ssyncset.done $0x0  }
0x85: {  	s7 =	simm.s32 $0x310;
	[sflag:s22] =	ssyncadd.s32 $0xFFFFD600  }
0x86: {  	[tilespmem:s26], [sflag:$0x2] =	stream.indirect.gather [hbm4b:s3+s24], $0x60, s7, s24, $0xb8;
	[tilespmem:$0x5A40] =	vst v63  }
0x87: {  	_ =	swait.ge [sflag:s28], $0x2A00  }
0x88: {  	[sflag:s28] =	ssyncset.done $0x0  }
0x89: {  	[sflag:s28] =	ssyncadd.s32 $0xFFFFD600  }
0x8a: {  	[hbm4b:s12+s2] =	stream.linear.scatter [tilespmem:s25], [sflag:$0x3], $0x2A00, $0x38;
	[tilespmem:$0x5A40] =	vst v63  }
0x8b: {  	_ =	swait.ge [sflag:s22], $0x2A00  }
0x8c: {  	[sflag:s22] =	ssyncset.done $0x0  }
0x8d: {  	s8 =	simm.s32 $0x380;
	[sflag:s22] =	ssyncadd.s32 $0xFFFFD600  }
0x8e: {  	[tilespmem:s25], [sflag:$0x1] =	stream.indirect.gather [hbm4b:s3+s24], $0x60, s8, s24, $0xb8;
	[tilespmem:$0x5A40] =	vst v63  }
0x8f: {  	_ =	swait.ge [sflag:s30], $0x2A00  }
0x90: {  	[sflag:s30] =	ssyncset.done $0x0  }
0x91: {  	[sflag:s30] =	ssyncadd.s32 $0xFFFFD600  }
0x92: {  	[hbm4b:s13+s2] =	stream.linear.scatter [tilespmem:s26], [sflag:$0x3], $0x2A00, $0x38;
	[tilespmem:$0x5A40] =	vst v63  }
0x93: {  	_ =	swait.ge [sflag:s22], $0x2A00  }
0x94: {  	[sflag:s22] =	ssyncset.done $0x0  }
0x95: {  	s9 =	simm.s32 $0x3F0;
	[sflag:s22] =	ssyncadd.s32 $0xFFFFD600  }
0x96: {  	[tilespmem:s26], [sflag:$0x2] =	stream.indirect.gather [hbm4b:s3+s24], $0x60, s9, s24, $0xb8;
	[tilespmem:$0x5A40] =	vst v63  }
0x97: {  	_ =	swait.ge [sflag:s28], $0x2A00  }
0x98: {  	[sflag:s28] =	ssyncset.done $0x0  }
0x99: {  	[sflag:s28] =	ssyncadd.s32 $0xFFFFD600  }
0x9a: {  	[hbm4b:s14+s2] =	stream.linear.scatter [tilespmem:s25], [sflag:$0x3], $0x2A00, $0x38;
	[tilespmem:$0x5A40] =	vst v63  }
0x9b: {  	_ =	swait.ge [sflag:s22], $0x2A00  }
0x9c: {  	[sflag:s22] =	ssyncset.done $0x0  }
0x9d: {  	s10 =	simm.s32 $0x460;
	[sflag:s22] =	ssyncadd.s32 $0xFFFFD600  }
0x9e: {  	[tilespmem:s25], [sflag:$0x1] =	stream.indirect.gather [hbm4b:s3+s24], $0x60, s10, s24, $0xb8;
	[tilespmem:$0x5A40] =	vst v63  }
0x9f: {  	_ =	swait.ge [sflag:s30], $0x2A00  }
0xa0: {  	[sflag:s30] =	ssyncset.done $0x0  }
0xa1: {  	[sflag:s30] =	ssyncadd.s32 $0xFFFFD600  }
0xa2: {  	[hbm4b:s15+s2] =	stream.linear.scatter [tilespmem:s26], [sflag:$0x3], $0x2A00, $0x38;
	[tilespmem:$0x5A40] =	vst v63  }
0xa3: {  	_ =	swait.ge [sflag:s22], $0x2A00  }
0xa4: {  	[sflag:s22] =	ssyncset.done $0x0  }
0xa5: {  	s21 =	simm.s32 $0x4D0;
	[sflag:s22] =	ssyncadd.s32 $0xFFFFD600  }
0xa6: {  	[tilespmem:s26], [sflag:$0x2] =	stream.indirect.gather [hbm4b:s3+s24], $0x60, s21, s24, $0xb8;
	[tilespmem:$0x5A40] =	vst v63  }
0xa7: {  	_ =	swait.ge [sflag:s28], $0x2A00  }
0xa8: {  	[sflag:s28] =	ssyncset.done $0x0  }
0xa9: {  	[sflag:s28] =	ssyncadd.s32 $0xFFFFD600  }
0xaa: {  	[hbm4b:s16+s2] =	stream.linear.scatter [tilespmem:s25], [sflag:$0x3], $0x2A00, $0x38;
	[tilespmem:$0x5A40] =	vst v63  }
0xab: {  	_ =	swait.ge [sflag:s22], $0x2A00  }
0xac: {  	[sflag:s22] =	ssyncset.done $0x0  }
0xad: {  	s23 =	simm.s32 $0x540;
	[sflag:s22] =	ssyncadd.s32 $0xFFFFD600  }
0xae: {  	[tilespmem:s25], [sflag:$0x1] =	stream.indirect.gather [hbm4b:s3+s24], $0x60, s23, s24, $0xb8;
	[tilespmem:$0x5A40] =	vst v63  }
0xaf: {  	_ =	swait.ge [sflag:s30], $0x2A00  }
0xb0: {  	[sflag:s30] =	ssyncset.done $0x0  }
0xb1: {  	[sflag:s30] =	ssyncadd.s32 $0xFFFFD600  }
0xb2: {  	[hbm4b:s17+s2] =	stream.linear.scatter [tilespmem:s26], [sflag:$0x3], $0x2A00, $0x38;
	[tilespmem:$0x5A40] =	vst v63  }
0xb3: {  	_ =	swait.ge [sflag:s22], $0x2A00  }
0xb4: {  	[sflag:s22] =	ssyncset.done $0x0  }
0xb5: {  	s31 =	simm.s32 $0x5B0;
	[sflag:s22] =	ssyncadd.s32 $0xFFFFD600  }
0xb6: {  	[tilespmem:s26], [sflag:$0x2] =	stream.indirect.gather [hbm4b:s3+s24], $0x60, s31, s24, $0xb8;
	[tilespmem:$0x5A40] =	vst v63  }
0xb7: {  	_ =	swait.ge [sflag:s28], $0x2A00  }
0xb8: {  	[sflag:s28] =	ssyncset.done $0x0  }
0xb9: {  	[sflag:s28] =	ssyncadd.s32 $0xFFFFD600  }
0xba: {  	[hbm4b:s18+s2] =	stream.linear.scatter [tilespmem:s25], [sflag:$0x3], $0x2A00, $0x38;
	[tilespmem:$0x5A40] =	vst v63  }
0xbb: {  	_ =	swait.ge [sflag:s22], $0x2A00  }
0xbc: {  	[sflag:s22] =	ssyncset.done $0x0  }
0xbd: {  	[sflag:s22] =	ssyncadd.s32 $0xFFFFD600  }
0xbe: {  	s29 =	sadd.s32 $0x1, s29;
	_ =	swait.ge [sflag:s30], $0x2A00  }
0xbf: {  	p0 =	sne.s32 s29, s20;
	[sflag:s30] =	ssyncset.done $0x0  }
.Ltmp2:
0xc0: {  	[sflag:s30] =	ssyncadd.s32 $0xFFFFD600;
	(pc) =	sbr.rel @p0 .LBB2_1-.Ltmp2, $4  }
0xc1: {  	[hbm4b:s19+s2] =	stream.linear.scatter [tilespmem:s26], [sflag:$0x3], $0x2A00, $0x38;
	[tilespmem:$0x5A40] =	vst v63  }
0xc2: {  	_ =	swait.ge [sflag:s22], $0x2A00  }
0xc3: {  	[sflag:s22] =	ssyncset.done $0x0  }
0xc4: {  	[sflag:s22] =	ssyncadd.s32 $0xFFFFD600  }
0xc5: {  	_ =	sfence.sel $0x180000  }
0xc6: {  	[bflag:$0x0] =	sbarrier.arrive $0xFFFF  }
0xc7: {  	_ =	strace $0x90000047  }
0xc8: {  	s0 =	stileid.u32;
	[bflag:$0x2] =	sbarrier.arrive $0xFFFF  }
0xc9: {  	p0 =	sne.s32 s0, $0x0;
	s0 =	rddreg [dreg:$0x2]  }
0xca: {  	s0 =	sadd.s32 @!p0 $0x100000, s0  }
0xcb: {  	[sflag:s0] =	ssyncadd.tile.s32 @!p0 $0x1;
	_ =	shalt  }
.Lfunc_end2:
_tile_overlayer_lowered:
.L_overlay_start_2:
0xcc: {  	(tag) =	ssettag $0x2  }
0xcd: {  	s0 =	rddreg [dreg:$0x0];
	s2 =	stileid.u32  }
0xce: {  	s1 =	rddreg [dreg:$0x1];
	p0 =	sne.s32 s2, $0x0  }
0xcf: {  	s3 =	rddreg [dreg:$0x2];
	[bflag:$0x3] =	sbarrier.arrive $0xFFFF;
	s2 =	simm.s32 @!p0 $0x1C03  }
0xd0: {  	[timem:s3], [sflag:s2] =	dma.local @!p0 [hbm:s0], s1  }
0xd1: {  	s0 =	simm.s32 @!p0 $0x3  }
0xd2: {  	_ =	swait.ge @!p0 [sflag:s0], s1  }
0xd3: {  	s1 =	ssub.s32 @!p0 $0x0, s1;
	[sflag:s0] =	ssyncset.done @!p0 $0x0  }
0xd4: {  	[sflag:s0] =	ssyncadd.s32 @!p0 s1  }
0xd5: {  	[bflag:$0x3] =	sbarrier.arrive $0xFFFF  }
0xd6: {  	_ =	shalt  }

</sc_bundles>
